<compile_context>
chip_gen: v7x
topology: tpu7x:2x2x1
jax: 0.10.2.dev20260603
libtpu: 0.0.44.dev20260713+nightly
codegen_flags: <defaults>
</compile_context>

<pallas_src>
import dataclasses
import functools

import jax
import jax.numpy as jnp
import numpy as np
from jax import lax
from jax.experimental import pallas as pl
from jax.experimental.pallas import tpu as pltpu
from jax.experimental.pallas import tpu_sc as plsc

EPS = float(np.finfo(np.float32).eps)

NTILES = 32
LANES = 16
EBLK = 2560


def _round_up(x, m):
    return (x + m - 1) // m * m


def _sc_compiler_params():
    cp = pltpu.CompilerParams()
    if "needs_layout_passes" in pltpu.CompilerParams.__dataclass_fields__:
        cp = dataclasses.replace(cp, needs_layout_passes=False)
    return cp


NT = (((1,), (1,)), ((), ()))
NN = (((1,), (0,)), ((), ()))


def _hdot(a, b, dims):
    return lax.dot_general(a, b, dims, precision=lax.Precision.HIGHEST,
                           preferred_element_type=jnp.float32)


def _pack_bf16_pair(y):
    half = y.shape[1] // 2
    u = lax.bitcast_convert_type(y, jnp.uint32) + jnp.uint32(0x8000)
    lo = u[:, :half] >> jnp.uint32(16)
    hi = u[:, half:] & jnp.uint32(0xFFFF0000)
    return lax.bitcast_convert_type(lo | hi, jnp.int32)


def _unpack_bf16_pair(v):
    f_lo = lax.bitcast_convert_type(v << jnp.int32(16), jnp.float32)
    f_hi = lax.bitcast_convert_type(
        v & jnp.int32(np.int32(np.uint32(0xFFFF0000))), jnp.float32)
    return f_lo, f_hi


def _tc_prep_body(xs_ref, xt_ref, ws_ref, wt_ref, we_ref, wa_ref, ea_ref,
                  ys_ref, yt_ref, es_ref, et_ref, ee_ref):
    @pl.when(pl.program_id(0) == 0)
    def _():
        ys = _hdot(xs_ref[...], ws_ref[...], NT)
        yt = _hdot(xt_ref[...], wt_ref[...], NT)
        ys_ref[...] = ys
        yt_ref[...] = yt
        es_ref[...] = _hdot(wa_ref[...], ys, NT)
        et_ref[...] = _hdot(wa_ref[...], yt, NT)

    c = lax.dot_general(wa_ref[...], we_ref[...], NN,
                        preferred_element_type=jnp.float32)
    ee_ref[...] = lax.dot_general(c, ea_ref[...], NT,
                                  preferred_element_type=jnp.float32)


def _tc_prep(x_s, x_t, W_src, W_tgt, W_edge, W_attn, edge_attr):
    N, D = x_s.shape
    E = edge_attr.shape[0]
    full = lambda shape: pl.BlockSpec(shape, lambda i: (0, 0))
    return pl.pallas_call(
        _tc_prep_body,
        grid=(E // EBLK,),
        in_specs=[full((N, D)), full((N, D)),
                  full((D, D)), full((D, D)), full((D, D)), full((1, D)),
                  pl.BlockSpec((EBLK, D), lambda i: (i, 0))],
        out_specs=[full((N, D)), full((N, D)), full((1, N)), full((1, N)),
                   pl.BlockSpec((1, EBLK), lambda i: (0, i))],
        out_shape=[
            jax.ShapeDtypeStruct((N, D), jnp.float32),
            jax.ShapeDtypeStruct((N, D), jnp.float32),
            jax.ShapeDtypeStruct((1, N), jnp.float32),
            jax.ShapeDtypeStruct((1, N), jnp.float32),
            jax.ShapeDtypeStruct((1, E), jnp.float32),
        ],
    )(x_s, x_t, W_src, W_tgt, W_edge, W_attn, edge_attr)


def _sc_logits(es_t, et_t, ee2d, src2d, tgt2d, E):
    npad = es_t.shape[0]
    nslice = npad // LANES
    rows_pad, width = ee2d.shape
    R = rows_pad // NTILES

    mesh = plsc.VectorSubcoreMesh(core_axis_name="core",
                                  subcore_axis_name="subcore")

    @functools.partial(
        pl.kernel, mesh=mesh, compiler_params=_sc_compiler_params(),
        out_type=(jax.ShapeDtypeStruct((rows_pad, width), jnp.float32),
                  jax.ShapeDtypeStruct((2, npad), jnp.float32)),
        scratch_types=[
            pltpu.VMEM((npad,), jnp.float32),
            pltpu.VMEM((npad,), jnp.float32),
            pltpu.VMEM((R, width), jnp.float32),
            pltpu.VMEM((R, width), jnp.int32),
            pltpu.VMEM((R, width), jnp.int32),
            pltpu.VMEM((R, width), jnp.float32),
            pltpu.VMEM((nslice,), jnp.float32),
            pltpu.VMEM_SHARED((npad,), jnp.float32),
        ],
    )
    def k(es_hbm, et_hbm, ee_hbm, src_hbm, tgt_hbm, p_hbm, den_hbm,
          es_v, et_v, ee_v, src_v, tgt_v, p_v, zero_v, den_sh):
        cid = lax.axis_index("core")
        sid = lax.axis_index("subcore")
        w = sid * 2 + cid
        base = w * R

        pltpu.sync_copy(es_hbm, es_v)
        pltpu.sync_copy(et_hbm, et_v)
        pltpu.sync_copy(ee_hbm.at[pl.ds(base, R)], ee_v)
        pltpu.sync_copy(src_hbm.at[pl.ds(base, R)], src_v)
        pltpu.sync_copy(tgt_hbm.at[pl.ds(base, R)], tgt_v)

        @pl.loop(0, nslice, step=LANES)
        def _(i):
            zero_v[pl.ds(i, LANES)] = jnp.zeros((LANES,), jnp.float32)

        pltpu.sync_copy(zero_v, den_sh.at[pl.ds(sid * nslice, nslice)])
        plsc.subcore_barrier()

        @pl.loop(0, R)
        def _(r):
            @pl.loop(0, width, step=LANES)
            def _(col):
                si = src_v[r, pl.ds(col, LANES)]
                ti = tgt_v[r, pl.ds(col, LANES)]
                ev = ee_v[r, pl.ds(col, LANES)]
                e = plsc.load_gather(es_v, [si]) + plsc.load_gather(et_v, [ti]) + ev
                e = jnp.maximum(e, e * jnp.float32(0.2))
                pos = (base + r) * width + col + lax.iota(jnp.int32, LANES)
                p = jnp.where(pos < E, jnp.exp(e), jnp.float32(0.0))
                p_v[r, pl.ds(col, LANES)] = p

        @pl.loop(0, R)
        def _(r):
            pltpu.sync_copy(p_v.at[r], den_sh.at[src_v.at[r]], add=True)

        plsc.subcore_barrier()
        pltpu.sync_copy(p_v, p_hbm.at[pl.ds(base, R)])

        @pl.when(sid == 0)
        def _():
            pltpu.sync_copy(den_sh, den_hbm.at[cid])

    return k(es_t, et_t, ee2d, src2d, tgt2d)


def _sc_alpha(dens, p2d, src2d):
    npad = dens.shape[1]
    rows_pad, width = p2d.shape
    R = rows_pad // NTILES

    mesh = plsc.VectorSubcoreMesh(core_axis_name="core",
                                  subcore_axis_name="subcore")

    @functools.partial(
        pl.kernel, mesh=mesh, compiler_params=_sc_compiler_params(),
        out_type=jax.ShapeDtypeStruct((rows_pad, width), jnp.float32),
        scratch_types=[
            pltpu.VMEM((npad,), jnp.float32),
            pltpu.VMEM((npad,), jnp.float32),
            pltpu.VMEM((R, width), jnp.float32),
            pltpu.VMEM((R, width), jnp.int32),
            pltpu.VMEM((R, width), jnp.float32),
        ],
    )
    def k(den_hbm, p_hbm, src_hbm, a_hbm, d0_v, d1_v, p_v, src_v, a_v):
        cid = lax.axis_index("core")
        sid = lax.axis_index("subcore")
        w = sid * 2 + cid
        base = w * R

        pltpu.sync_copy(den_hbm.at[0], d0_v)
        pltpu.sync_copy(den_hbm.at[1], d1_v)
        pltpu.sync_copy(p_hbm.at[pl.ds(base, R)], p_v)
        pltpu.sync_copy(src_hbm.at[pl.ds(base, R)], src_v)

        @pl.loop(0, npad, step=LANES)
        def _(i):
            d0_v[pl.ds(i, LANES)] = d0_v[pl.ds(i, LANES)] + d1_v[pl.ds(i, LANES)]

        @pl.loop(0, R)
        def _(r):
            @pl.loop(0, width, step=LANES)
            def _(col):
                si = src_v[r, pl.ds(col, LANES)]
                d = plsc.load_gather(d0_v, [si])
                a_v[r, pl.ds(col, LANES)] = p_v[r, pl.ds(col, LANES)] / d

        pltpu.sync_copy(a_v, a_hbm.at[pl.ds(base, R)])

    return k(dens, p2d, src2d)


def _sc_gather(ys, yt, src2d, tgt2d):
    D2 = ys.shape[1]
    rows_pad, width = src2d.shape
    e_pad = rows_pad * width

    mesh = plsc.VectorSubcoreMesh(core_axis_name="core",
                                  subcore_axis_name="subcore")

    NT = ys.shape[0]
    SROWS = NT // 16
    R = rows_pad // NTILES
    NBUF = 2

    @functools.partial(
        pl.kernel, mesh=mesh, compiler_params=_sc_compiler_params(),
        out_type=(jax.ShapeDtypeStruct((e_pad, D2), jnp.float32),
                  jax.ShapeDtypeStruct((e_pad, D2), jnp.float32)),
        scratch_types=[
            pltpu.VMEM((R, width), jnp.int32),
            pltpu.VMEM((NBUF, width, D2), jnp.float32),
            pltpu.VMEM_SHARED((NT, D2), jnp.float32),
            pltpu.SemaphoreType.DMA,
            pltpu.SemaphoreType.DMA,
        ],
    )
    def k(ys_hbm, yt_hbm, src_hbm, tgt_hbm, gs_hbm, gt_hbm,
          idx_v, bufs, tbl_sh, gsem, osem):
        cid = lax.axis_index("core")
        sid = lax.axis_index("subcore")
        w = sid * 2 + cid
        base = w * R

        def one_pass(tbl_hbm, eidx_hbm, out_hbm):
            pltpu.sync_copy(eidx_hbm.at[pl.ds(base, R)], idx_v)
            @pl.loop(0, SROWS, step=width)
            def _(c):
                row = sid * SROWS + c
                pltpu.sync_copy(tbl_hbm.at[pl.ds(row, width)], bufs.at[0])
                pltpu.sync_copy(bufs.at[0], tbl_sh.at[pl.ds(row, width)])

            plsc.subcore_barrier()

            @pl.loop(0, R, step=NBUF)
            def _(g):
                hs = [pltpu.async_copy(tbl_sh.at[idx_v.at[g + b]],
                                       bufs.at[b], gsem)
                      for b in range(NBUF)]
                for h in hs:
                    h.wait()
                row0 = (base + g) * width
                ss = [pltpu.async_copy(bufs.at[b],
                                       out_hbm.at[pl.ds(row0 + b * width,
                                                        width)], osem)
                      for b in range(NBUF)]
                for s in ss:
                    s.wait()

            plsc.subcore_barrier()

        one_pass(ys_hbm, src_hbm, gs_hbm)
        one_pass(yt_hbm, tgt_hbm, gt_hbm)

    return k(ys, yt, src2d, tgt2d)


def _tc_final_body(ea_ref, gs_ref, gt_ref, a_ref, we_ref, rw_ref, o_ref):
    he = _hdot(ea_ref[...], we_ref[...], NT)
    h = (he + gs_ref[...] + gt_ref[...]) * a_ref[...]
    ms = jnp.mean(h * h, axis=1, keepdims=True)
    o_ref[...] = h * lax.rsqrt(ms + EPS) * rw_ref[...]


def _tc_final(edge_attr, gs, gt, alpha, W_edge, rms_w2d):
    E, D = edge_attr.shape
    return pl.pallas_call(
        _tc_final_body,
        grid=(E // EBLK,),
        in_specs=[
            pl.BlockSpec((EBLK, D), lambda i: (i, 0)),
            pl.BlockSpec((EBLK, D), lambda i: (i, 0)),
            pl.BlockSpec((EBLK, D), lambda i: (i, 0)),
            pl.BlockSpec((EBLK, 1), lambda i: (i, 0)),
            pl.BlockSpec((D, D), lambda i: (0, 0)),
            pl.BlockSpec((1, D), lambda i: (0, 0)),
        ],
        out_specs=pl.BlockSpec((EBLK, D), lambda i: (i, 0)),
        out_shape=jax.ShapeDtypeStruct((E, D), jnp.float32),
    )(edge_attr, gs, gt, alpha, W_edge, rms_w2d)


def kernel(x_s, x_t, edge_index, edge_attr, x_u, W_src, W_tgt, W_edge,
           W_attn, rms_w):
    N, D = x_s.shape
    E = edge_attr.shape[0]
    src = edge_index[0].astype(jnp.int32)
    tgt = edge_index[1].astype(jnp.int32)

    npad = LANES * _round_up(_round_up(N, LANES) // LANES, LANES)
    rows = _round_up(E, D) // D
    rows_pad = NTILES * _round_up(_round_up(rows, NTILES) // NTILES, 8)
    e_pad = rows_pad * D

    ys, yt, es, et, ee = _tc_prep(x_s, x_t, W_src, W_tgt, W_edge, W_attn,
                                  edge_attr)

    es_t = jnp.pad(es[0], (0, npad - N))
    et_t = jnp.pad(et[0], (0, npad - N))
    ee2d = jnp.pad(ee[0], (0, e_pad - E)).reshape(rows_pad, D)
    src2d = jnp.pad(src, (0, e_pad - E)).reshape(rows_pad, D)
    tgt2d = jnp.pad(tgt, (0, e_pad - E)).reshape(rows_pad, D)

    p2d, dens = _sc_logits(es_t, et_t, ee2d, src2d, tgt2d, E)
    alpha2d = _sc_alpha(dens, p2d, src2d)
    ys_p = jnp.pad(ys, ((0, npad - N), (0, 0)))
    yt_p = jnp.pad(yt, ((0, npad - N), (0, 0)))
    gs, gt = _sc_gather(ys_p, yt_p, src2d, tgt2d)

    alpha = alpha2d.reshape(-1)[:E, None]
    return _tc_final(edge_attr, gs, gt, alpha, W_edge, rms_w.reshape(1, D))

# --- scband reference (transcript-rebuilt; emitter-appended) ---
"""Pipeline reference for scband-attention-edge-model-5420248727649 (READ-ONLY COPY).

The authoritative reference and input builder live on the scoring server;
editing this copy changes nothing except your own understanding.
"""

import jax, jax.numpy as jnp
import numpy as np

EPS = float(np.finfo(np.float32).eps)


def setup_inputs(seed: int = 0) -> dict:
    key = jax.random.key(seed)
    ks = jax.random.split(key, 10)
    N = 10000
    E = 320000
    D = 128
    x_s = jax.random.normal(ks[0], (N, D), dtype=jnp.float32)
    x_t = jax.random.normal(ks[1], (N, D), dtype=jnp.float32)
    edge_index = jax.random.randint(ks[2], (2, E), 0, N, dtype=jnp.int64)
    edge_attr = jax.random.normal(ks[3], (E, D), dtype=jnp.float32)
    x_u = jax.random.normal(ks[4], (1, D), dtype=jnp.float32)
    # learned parameters (torch Linear weight layout: [out, in])
    s = 1.0 / np.sqrt(D)
    W_src = jax.random.uniform(ks[5], (D, D), dtype=jnp.float32, minval=-s, maxval=s)
    W_tgt = jax.random.uniform(ks[6], (D, D), dtype=jnp.float32, minval=-s, maxval=s)
    W_edge = jax.random.uniform(ks[7], (D, D), dtype=jnp.float32, minval=-s, maxval=s)
    W_attn = jax.random.uniform(ks[8], (1, D), dtype=jnp.float32, minval=-s, maxval=s)
    rms_w = jnp.ones((D,), dtype=jnp.float32)
    return {"x_s": x_s, "x_t": x_t, "edge_index": edge_index, "edge_attr": edge_attr, "x_u": x_u,
            "W_src": W_src, "W_tgt": W_tgt, "W_edge": W_edge, "W_attn": W_attn, "rms_w": rms_w}


def _scatter_softmax(e, seg, num_segments):
    m = jax.ops.segment_max(e, seg, num_segments=num_segments)
    e_exp = jnp.exp(e - m[seg])
    denom = jax.ops.segment_sum(e_exp, seg, num_segments=num_segments)
    return e_exp / denom[seg]


def reference(x_s, x_t, edge_index, edge_attr, x_u, W_src, W_tgt, W_edge, W_attn, rms_w):
    N = x_s.shape[0]
    src = edge_index[0]
    tgt = edge_index[1]
    h_src = x_s[src] @ W_src.T
    h_tgt = x_t[tgt] @ W_tgt.T
    h_edge = edge_attr @ W_edge.T
    h = h_src + h_tgt + h_edge
    e = jax.nn.leaky_relu((h @ W_attn.T).squeeze(-1), negative_slope=0.2)
    alpha = _scatter_softmax(e, src, N)
    h = h * alpha[:, None]
    rms = jnp.sqrt(jnp.mean(h * h, axis=-1, keepdims=True) + EPS)
    return (h / rms) * rms_w

if __name__ == "__main__":
    import jax
    _d = setup_inputs()
    print(jax.jit(kernel)(*tuple(_d.values())))

</pallas_src>

<mosaic_0001>
#map = affine_map<(d0, d1) -> (0, 0)>
module attributes {stable_mosaic.version = 14 : i64} {
  func.func @k(%arg0: i32, %arg1: i32, %arg2: memref<2x10240xf32, #tpu.memory_space<hbm>>, %arg3: memref<2560x128xf32, #tpu.memory_space<hbm>>, %arg4: memref<2560x128xi32, #tpu.memory_space<hbm>>, %arg5: memref<2560x128xf32, #tpu.memory_space<hbm>>, %arg6: memref<10240xf32, #tpu.memory_space<vmem>>, %arg7: memref<10240xf32, #tpu.memory_space<vmem>>, %arg8: memref<80x128xf32, #tpu.memory_space<vmem>>, %arg9: memref<80x128xi32, #tpu.memory_space<vmem>>, %arg10: memref<80x128xf32, #tpu.memory_space<vmem>>) attributes {dimension_semantics = [#tpu.dimension_semantics<core_parallel>, #tpu.dimension_semantics<subcore_parallel>], iteration_bounds = array<i64: 2, 16>, scalar_prefetch = 0 : i64, scratch_operands = 5 : i64, tpu.core_type = #tpu.core_type<sc_vector_subcore>, window_params = [{transform_indices = #map}, {transform_indices = #map}, {transform_indices = #map}, {transform_indices = #map}]} {
    %mul3A = arith.constant 2 : i32
    %mul3A_0 = arith.muli %arg1, %mul3A : i32
    %add3A = arith.addi %mul3A_0, %arg0 : i32
    %mul3A_1 = arith.constant 80 : i32
    %mul3A_2 = arith.muli %add3A, %mul3A_1 : i32
    %run_scoped3A = arith.constant 0 : i32
    "tpu.region"() ({
      %run_scoped3A_13 = tpu.sem_alloc : memref<!tpu.dma_semaphore, #tpu.memory_space<semaphore_mem>>
      %dma_start3A = arith.constant 0 : i32
      %dma_start3A_14 = tpu.memref_slice %arg2[%run_scoped3A, %dma_start3A] : memref<2x10240xf32, #tpu.memory_space<hbm>> -> memref<1x10240xf32, #tpu.memory_space<hbm>>
      %dma_start3A_15 = tpu.memref_squeeze %dma_start3A_14 : memref<1x10240xf32, #tpu.memory_space<hbm>> -> memref<10240xf32, #tpu.memory_space<hbm>>
      %dma_start3A_16 = arith.constant 0 : i32
      %dma_start3A_17 = tpu.memref_slice %arg2[%run_scoped3A, %dma_start3A_16] : memref<2x10240xf32, #tpu.memory_space<hbm>> -> memref<1x10240xf32, #tpu.memory_space<hbm>>
      %dma_start3A_18 = tpu.memref_squeeze %dma_start3A_17 : memref<1x10240xf32, #tpu.memory_space<hbm>> -> memref<10240xf32, #tpu.memory_space<hbm>>
      tpu.enqueue_dma source(%dma_start3A_18 : memref<10240xf32, #tpu.memory_space<hbm>>) target(%arg6 : memref<10240xf32, #tpu.memory_space<vmem>>) target_semaphore(%run_scoped3A_13 : memref<!tpu.dma_semaphore, #tpu.memory_space<semaphore_mem>>)
      %dma_wait3A = arith.constant 0 : i32
      %dma_wait3A_19 = tpu.memref_slice %arg2[%run_scoped3A, %dma_wait3A] : memref<2x10240xf32, #tpu.memory_space<hbm>> -> memref<1x10240xf32, #tpu.memory_space<hbm>>
      %dma_wait3A_20 = tpu.memref_squeeze %dma_wait3A_19 : memref<1x10240xf32, #tpu.memory_space<hbm>> -> memref<10240xf32, #tpu.memory_space<hbm>>
      %dma_wait3A_21 = arith.constant 0 : i32
      %dma_wait3A_22 = tpu.memref_slice %arg2[%run_scoped3A, %dma_wait3A_21] : memref<2x10240xf32, #tpu.memory_space<hbm>> -> memref<1x10240xf32, #tpu.memory_space<hbm>>
      %dma_wait3A_23 = tpu.memref_squeeze %dma_wait3A_22 : memref<1x10240xf32, #tpu.memory_space<hbm>> -> memref<10240xf32, #tpu.memory_space<hbm>>
      tpu.wait_dma2 semaphore(%run_scoped3A_13 : memref<!tpu.dma_semaphore, #tpu.memory_space<semaphore_mem>>) src(%dma_wait3A_23 : memref<10240xf32, #tpu.memory_space<hbm>>) dst(%arg6 : memref<10240xf32, #tpu.memory_space<vmem>>)
      tpu.yield
    }) : () -> ()
    %run_scoped3A_3 = arith.constant 1 : i32
    "tpu.region"() ({
      %run_scoped3A_13 = tpu.sem_alloc : memref<!tpu.dma_semaphore, #tpu.memory_space<semaphore_mem>>
      %dma_start3A = arith.constant 0 : i32
      %dma_start3A_14 = tpu.memref_slice %arg2[%run_scoped3A_3, %dma_start3A] : memref<2x10240xf32, #tpu.memory_space<hbm>> -> memref<1x10240xf32, #tpu.memory_space<hbm>>
      %dma_start3A_15 = tpu.memref_squeeze %dma_start3A_14 : memref<1x10240xf32, #tpu.memory_space<hbm>> -> memref<10240xf32, #tpu.memory_space<hbm>>
      %dma_start3A_16 = arith.constant 0 : i32
      %dma_start3A_17 = tpu.memref_slice %arg2[%run_scoped3A_3, %dma_start3A_16] : memref<2x10240xf32, #tpu.memory_space<hbm>> -> memref<1x10240xf32, #tpu.memory_space<hbm>>
      %dma_start3A_18 = tpu.memref_squeeze %dma_start3A_17 : memref<1x10240xf32, #tpu.memory_space<hbm>> -> memref<10240xf32, #tpu.memory_space<hbm>>
      tpu.enqueue_dma source(%dma_start3A_18 : memref<10240xf32, #tpu.memory_space<hbm>>) target(%arg7 : memref<10240xf32, #tpu.memory_space<vmem>>) target_semaphore(%run_scoped3A_13 : memref<!tpu.dma_semaphore, #tpu.memory_space<semaphore_mem>>)
      %dma_wait3A = arith.constant 0 : i32
      %dma_wait3A_19 = tpu.memref_slice %arg2[%run_scoped3A_3, %dma_wait3A] : memref<2x10240xf32, #tpu.memory_space<hbm>> -> memref<1x10240xf32, #tpu.memory_space<hbm>>
      %dma_wait3A_20 = tpu.memref_squeeze %dma_wait3A_19 : memref<1x10240xf32, #tpu.memory_space<hbm>> -> memref<10240xf32, #tpu.memory_space<hbm>>
      %dma_wait3A_21 = arith.constant 0 : i32
      %dma_wait3A_22 = tpu.memref_slice %arg2[%run_scoped3A_3, %dma_wait3A_21] : memref<2x10240xf32, #tpu.memory_space<hbm>> -> memref<1x10240xf32, #tpu.memory_space<hbm>>
      %dma_wait3A_23 = tpu.memref_squeeze %dma_wait3A_22 : memref<1x10240xf32, #tpu.memory_space<hbm>> -> memref<10240xf32, #tpu.memory_space<hbm>>
      tpu.wait_dma2 semaphore(%run_scoped3A_13 : memref<!tpu.dma_semaphore, #tpu.memory_space<semaphore_mem>>) src(%dma_wait3A_23 : memref<10240xf32, #tpu.memory_space<hbm>>) dst(%arg7 : memref<10240xf32, #tpu.memory_space<vmem>>)
      tpu.yield
    }) : () -> ()
    "tpu.region"() ({
      %run_scoped3A_13 = tpu.sem_alloc : memref<!tpu.dma_semaphore, #tpu.memory_space<semaphore_mem>>
      %dma_start3A = arith.constant 0 : i32
      %dma_start3A_14 = tpu.memref_slice %arg3[%mul3A_2, %dma_start3A] : memref<2560x128xf32, #tpu.memory_space<hbm>> -> memref<80x128xf32, #tpu.memory_space<hbm>>
      %dma_start3A_15 = arith.constant 0 : i32
      %dma_start3A_16 = tpu.memref_slice %arg3[%mul3A_2, %dma_start3A_15] : memref<2560x128xf32, #tpu.memory_space<hbm>> -> memref<80x128xf32, #tpu.memory_space<hbm>>
      tpu.enqueue_dma source(%dma_start3A_16 : memref<80x128xf32, #tpu.memory_space<hbm>>) target(%arg8 : memref<80x128xf32, #tpu.memory_space<vmem>>) target_semaphore(%run_scoped3A_13 : memref<!tpu.dma_semaphore, #tpu.memory_space<semaphore_mem>>)
      %dma_wait3A = arith.constant 0 : i32
      %dma_wait3A_17 = tpu.memref_slice %arg3[%mul3A_2, %dma_wait3A] : memref<2560x128xf32, #tpu.memory_space<hbm>> -> memref<80x128xf32, #tpu.memory_space<hbm>>
      %dma_wait3A_18 = arith.constant 0 : i32
      %dma_wait3A_19 = tpu.memref_slice %arg3[%mul3A_2, %dma_wait3A_18] : memref<2560x128xf32, #tpu.memory_space<hbm>> -> memref<80x128xf32, #tpu.memory_space<hbm>>
      tpu.wait_dma2 semaphore(%run_scoped3A_13 : memref<!tpu.dma_semaphore, #tpu.memory_space<semaphore_mem>>) src(%dma_wait3A_19 : memref<80x128xf32, #tpu.memory_space<hbm>>) dst(%arg8 : memref<80x128xf32, #tpu.memory_space<vmem>>)
      tpu.yield
    }) : () -> ()
    "tpu.region"() ({
      %run_scoped3A_13 = tpu.sem_alloc : memref<!tpu.dma_semaphore, #tpu.memory_space<semaphore_mem>>
      %dma_start3A = arith.constant 0 : i32
      %dma_start3A_14 = tpu.memref_slice %arg4[%mul3A_2, %dma_start3A] : memref<2560x128xi32, #tpu.memory_space<hbm>> -> memref<80x128xi32, #tpu.memory_space<hbm>>
      %dma_start3A_15 = arith.constant 0 : i32
      %dma_start3A_16 = tpu.memref_slice %arg4[%mul3A_2, %dma_start3A_15] : memref<2560x128xi32, #tpu.memory_space<hbm>> -> memref<80x128xi32, #tpu.memory_space<hbm>>
      tpu.enqueue_dma source(%dma_start3A_16 : memref<80x128xi32, #tpu.memory_space<hbm>>) target(%arg9 : memref<80x128xi32, #tpu.memory_space<vmem>>) target_semaphore(%run_scoped3A_13 : memref<!tpu.dma_semaphore, #tpu.memory_space<semaphore_mem>>)
      %dma_wait3A = arith.constant 0 : i32
      %dma_wait3A_17 = tpu.memref_slice %arg4[%mul3A_2, %dma_wait3A] : memref<2560x128xi32, #tpu.memory_space<hbm>> -> memref<80x128xi32, #tpu.memory_space<hbm>>
      %dma_wait3A_18 = arith.constant 0 : i32
      %dma_wait3A_19 = tpu.memref_slice %arg4[%mul3A_2, %dma_wait3A_18] : memref<2560x128xi32, #tpu.memory_space<hbm>> -> memref<80x128xi32, #tpu.memory_space<hbm>>
      tpu.wait_dma2 semaphore(%run_scoped3A_13 : memref<!tpu.dma_semaphore, #tpu.memory_space<semaphore_mem>>) src(%dma_wait3A_19 : memref<80x128xi32, #tpu.memory_space<hbm>>) dst(%arg9 : memref<80x128xi32, #tpu.memory_space<vmem>>)
      tpu.yield
    }) : () -> ()
    %scan3A = arith.constant 0 : i32
    %scan3A_4 = arith.constant 640 : i32
    %scan3A_5 = arith.addi %scan3A, %scan3A_4 : i32
    %scan3A_6 = arith.constant 1 : i32
    scf.for %scan3A_13 = %scan3A to %scan3A_5 step %scan3A_6  : i32 {
      %mul3A_14 = arith.constant 16 : i32
      %mul3A_15 = arith.muli %scan3A_13, %mul3A_14 : i32
      %add3A_16 = arith.constant 0 : i32
      %add3A_17 = arith.addi %add3A_16, %mul3A_15 : i32
      %get3A = arith.index_cast %add3A_17 : i32 to index
      %get3A_18 = tpu.vector_load %arg6[%get3A] {strides = array<i32>} : memref<10240xf32, #tpu.memory_space<vmem>>, vector<16xf32>,
      %get3A_19 = arith.index_cast %add3A_17 : i32 to index
      %get3A_20 = tpu.vector_load %arg7[%get3A_19] {strides = array<i32>} : memref<10240xf32, #tpu.memory_space<vmem>>, vector<16xf32>,
      %add3A_21 = arith.addf %get3A_18, %get3A_20 : vector<16xf32>
      %swap3A = arith.index_cast %add3A_17 : i32 to index
      %swap3A_22 = tpu.vector_load %arg6[%swap3A] {strides = array<i32>} : memref<10240xf32, #tpu.memory_space<vmem>>, vector<16xf32>,
      tpu.vector_store %arg6[%swap3A], %add3A_21 {strides = array<i32>} : memref<10240xf32, #tpu.memory_space<vmem>>, vector<16xf32>,
    }
    %scan3A_7 = arith.constant 640 : i32
    %scan3A_8 = arith.constant 0 : i32
    %scan3A_9 = arith.constant 80 : i32
    %scan3A_10 = arith.addi %scan3A_8, %scan3A_9 : i32
    %scan3A_11 = arith.constant 1 : i32
    scf.for %scan3A_13 = %scan3A_8 to %scan3A_10 step %scan3A_11  : i32 {
      %mul3A_14 = arith.constant 1 : i32
      %mul3A_15 = arith.muli %scan3A_13, %mul3A_14 : i32
      %add3A_16 = arith.constant 0 : i32
      %add3A_17 = arith.addi %add3A_16, %mul3A_15 : i32
      %scan3A_18 = arith.constant 0 : i32
      %scan3A_19 = arith.constant 8 : i32
      %scan3A_20 = arith.addi %scan3A_18, %scan3A_19 : i32
      %scan3A_21 = arith.constant 1 : i32
      scf.for %scan3A_23 = %scan3A_18 to %scan3A_20 step %scan3A_21  : i32 {
        %mul3A_24 = arith.constant 16 : i32
        %mul3A_25 = arith.muli %scan3A_23, %mul3A_24 : i32
        %add3A_26 = arith.constant 0 : i32
        %add3A_27 = arith.addi %add3A_26, %mul3A_25 : i32
        %get3A = arith.index_cast %add3A_17 : i32 to index
        %get3A_28 = arith.index_cast %add3A_27 : i32 to index
        %get3A_29 = tpu.vector_load %arg9[%get3A, %get3A_28] {strides = array<i32>} : memref<80x128xi32, #tpu.memory_space<vmem>>, vector<16xi32>,
        %gather3A = tpu.vector_load_idx %arg6[%get3A_29] : memref<10240xf32, #tpu.memory_space<vmem>>[vector<16xi32>], vector<16xf32>,
        %get3A_30 = arith.index_cast %add3A_17 : i32 to index
        %get3A_31 = arith.index_cast %add3A_27 : i32 to index
        %get3A_32 = tpu.vector_load %arg8[%get3A_30, %get3A_31] {strides = array<i32>} : memref<80x128xf32, #tpu.memory_space<vmem>>, vector<16xf32>,
        %div3A = arith.divf %get3A_32, %gather3A : vector<16xf32>
        %swap3A = arith.index_cast %add3A_17 : i32 to index
        %swap3A_33 = arith.index_cast %add3A_27 : i32 to index
        %swap3A_34 = tpu.vector_load %arg10[%swap3A, %swap3A_33] {strides = array<i32>} : memref<80x128xf32, #tpu.memory_space<vmem>>, vector<16xf32>,
        tpu.vector_store %arg10[%swap3A, %swap3A_33], %div3A {strides = array<i32>} : memref<80x128xf32, #tpu.memory_space<vmem>>, vector<16xf32>,
      }
      %scan3A_22 = arith.constant 8 : i32
    }
    %scan3A_12 = arith.constant 80 : i32
    "tpu.region"() ({
      %run_scoped3A_13 = tpu.sem_alloc : memref<!tpu.dma_semaphore, #tpu.memory_space<semaphore_mem>>
      %dma_start3A = arith.constant 0 : i32
      %dma_start3A_14 = tpu.memref_slice %arg5[%mul3A_2, %dma_start3A] : memref<2560x128xf32, #tpu.memory_space<hbm>> -> memref<80x128xf32, #tpu.memory_space<hbm>>
      %dma_start3A_15 = arith.constant 0 : i32
      %dma_start3A_16 = tpu.memref_slice %arg5[%mul3A_2, %dma_start3A_15] : memref<2560x128xf32, #tpu.memory_space<hbm>> -> memref<80x128xf32, #tpu.memory_space<hbm>>
      tpu.enqueue_dma source(%arg10 : memref<80x128xf32, #tpu.memory_space<vmem>>) target(%dma_start3A_16 : memref<80x128xf32, #tpu.memory_space<hbm>>) target_semaphore(%run_scoped3A_13 : memref<!tpu.dma_semaphore, #tpu.memory_space<semaphore_mem>>)
      %dma_wait3A = arith.constant 0 : i32
      %dma_wait3A_17 = tpu.memref_slice %arg5[%mul3A_2, %dma_wait3A] : memref<2560x128xf32, #tpu.memory_space<hbm>> -> memref<80x128xf32, #tpu.memory_space<hbm>>
      %dma_wait3A_18 = arith.constant 0 : i32
      %dma_wait3A_19 = tpu.memref_slice %arg5[%mul3A_2, %dma_wait3A_18] : memref<2560x128xf32, #tpu.memory_space<hbm>> -> memref<80x128xf32, #tpu.memory_space<hbm>>
      tpu.wait_dma2 semaphore(%run_scoped3A_13 : memref<!tpu.dma_semaphore, #tpu.memory_space<semaphore_mem>>) src(%arg10 : memref<80x128xf32, #tpu.memory_space<vmem>>) dst(%dma_wait3A_19 : memref<80x128xf32, #tpu.memory_space<hbm>>)
      tpu.yield
    }) : () -> ()
    return
  }
}

#map = affine_map<(d0, d1) -> (0)>
#map1 = affine_map<(d0, d1) -> (0, 0)>
module attributes {stable_mosaic.version = 14 : i64} {
  func.func @k(%arg0: i32, %arg1: i32, %arg2: memref<10240xf32, #tpu.memory_space<hbm>>, %arg3: memref<10240xf32, #tpu.memory_space<hbm>>, %arg4: memref<2560x128xf32, #tpu.memory_space<hbm>>, %arg5: memref<2560x128xi32, #tpu.memory_space<hbm>>, %arg6: memref<2560x128xi32, #tpu.memory_space<hbm>>, %arg7: memref<2560x128xf32, #tpu.memory_space<hbm>>, %arg8: memref<2x10240xf32, #tpu.memory_space<hbm>>, %arg9: memref<10240xf32, #tpu.memory_space<vmem>>, %arg10: memref<10240xf32, #tpu.memory_space<vmem>>, %arg11: memref<80x128xf32, #tpu.memory_space<vmem>>, %arg12: memref<80x128xi32, #tpu.memory_space<vmem>>, %arg13: memref<80x128xi32, #tpu.memory_space<vmem>>, %arg14: memref<80x128xf32, #tpu.memory_space<vmem>>, %arg15: memref<640xf32, #tpu.memory_space<vmem>>, %arg16: memref<10240xf32, #tpu.memory_space<vmem_shared>>) attributes {dimension_semantics = [#tpu.dimension_semantics<core_parallel>, #tpu.dimension_semantics<subcore_parallel>], iteration_bounds = array<i64: 2, 16>, scalar_prefetch = 0 : i64, scratch_operands = 8 : i64, tpu.core_type = #tpu.core_type<sc_vector_subcore>, window_params = [{transform_indices = #map}, {transform_indices = #map}, {transform_indices = #map1}, {transform_indices = #map1}, {transform_indices = #map1}, {transform_indices = #map1}, {transform_indices = #map1}]} {
    %mul3A = arith.constant 2 : i32
    %mul3A_0 = arith.muli %arg1, %mul3A : i32
    %add3A = arith.addi %mul3A_0, %arg0 : i32
    %mul3A_1 = arith.constant 80 : i32
    %mul3A_2 = arith.muli %add3A, %mul3A_1 : i32
    "tpu.region"() ({
      %run_scoped3A = tpu.sem_alloc : memref<!tpu.dma_semaphore, #tpu.memory_space<semaphore_mem>>
      tpu.enqueue_dma source(%arg2 : memref<10240xf32, #tpu.memory_space<hbm>>) target(%arg9 : memref<10240xf32, #tpu.memory_space<vmem>>) target_semaphore(%run_scoped3A : memref<!tpu.dma_semaphore, #tpu.memory_space<semaphore_mem>>)
      tpu.wait_dma2 semaphore(%run_scoped3A : memref<!tpu.dma_semaphore, #tpu.memory_space<semaphore_mem>>) src(%arg2 : memref<10240xf32, #tpu.memory_space<hbm>>) dst(%arg9 : memref<10240xf32, #tpu.memory_space<vmem>>)
      tpu.yield
    }) : () -> ()
    "tpu.region"() ({
      %run_scoped3A = tpu.sem_alloc : memref<!tpu.dma_semaphore, #tpu.memory_space<semaphore_mem>>
      tpu.enqueue_dma source(%arg3 : memref<10240xf32, #tpu.memory_space<hbm>>) target(%arg10 : memref<10240xf32, #tpu.memory_space<vmem>>) target_semaphore(%run_scoped3A : memref<!tpu.dma_semaphore, #tpu.memory_space<semaphore_mem>>)
      tpu.wait_dma2 semaphore(%run_scoped3A : memref<!tpu.dma_semaphore, #tpu.memory_space<semaphore_mem>>) src(%arg3 : memref<10240xf32, #tpu.memory_space<hbm>>) dst(%arg10 : memref<10240xf32, #tpu.memory_space<vmem>>)
      tpu.yield
    }) : () -> ()
    "tpu.region"() ({
      %run_scoped3A = tpu.sem_alloc : memref<!tpu.dma_semaphore, #tpu.memory_space<semaphore_mem>>
      %dma_start3A = arith.constant 0 : i32
      %dma_start3A_22 = tpu.memref_slice %arg4[%mul3A_2, %dma_start3A] : memref<2560x128xf32, #tpu.memory_space<hbm>> -> memref<80x128xf32, #tpu.memory_space<hbm>>
      %dma_start3A_23 = arith.constant 0 : i32
      %dma_start3A_24 = tpu.memref_slice %arg4[%mul3A_2, %dma_start3A_23] : memref<2560x128xf32, #tpu.memory_space<hbm>> -> memref<80x128xf32, #tpu.memory_space<hbm>>
      tpu.enqueue_dma source(%dma_start3A_24 : memref<80x128xf32, #tpu.memory_space<hbm>>) target(%arg11 : memref<80x128xf32, #tpu.memory_space<vmem>>) target_semaphore(%run_scoped3A : memref<!tpu.dma_semaphore, #tpu.memory_space<semaphore_mem>>)
      %dma_wait3A = arith.constant 0 : i32
      %dma_wait3A_25 = tpu.memref_slice %arg4[%mul3A_2, %dma_wait3A] : memref<2560x128xf32, #tpu.memory_space<hbm>> -> memref<80x128xf32, #tpu.memory_space<hbm>>
      %dma_wait3A_26 = arith.constant 0 : i32
      %dma_wait3A_27 = tpu.memref_slice %arg4[%mul3A_2, %dma_wait3A_26] : memref<2560x128xf32, #tpu.memory_space<hbm>> -> memref<80x128xf32, #tpu.memory_space<hbm>>
      tpu.wait_dma2 semaphore(%run_scoped3A : memref<!tpu.dma_semaphore, #tpu.memory_space<semaphore_mem>>) src(%dma_wait3A_27 : memref<80x128xf32, #tpu.memory_space<hbm>>) dst(%arg11 : memref<80x128xf32, #tpu.memory_space<vmem>>)
      tpu.yield
    }) : () -> ()
    "tpu.region"() ({
      %run_scoped3A = tpu.sem_alloc : memref<!tpu.dma_semaphore, #tpu.memory_space<semaphore_mem>>
      %dma_start3A = arith.constant 0 : i32
      %dma_start3A_22 = tpu.memref_slice %arg5[%mul3A_2, %dma_start3A] : memref<2560x128xi32, #tpu.memory_space<hbm>> -> memref<80x128xi32, #tpu.memory_space<hbm>>
      %dma_start3A_23 = arith.constant 0 : i32
      %dma_start3A_24 = tpu.memref_slice %arg5[%mul3A_2, %dma_start3A_23] : memref<2560x128xi32, #tpu.memory_space<hbm>> -> memref<80x128xi32, #tpu.memory_space<hbm>>
      tpu.enqueue_dma source(%dma_start3A_24 : memref<80x128xi32, #tpu.memory_space<hbm>>) target(%arg12 : memref<80x128xi32, #tpu.memory_space<vmem>>) target_semaphore(%run_scoped3A : memref<!tpu.dma_semaphore, #tpu.memory_space<semaphore_mem>>)
      %dma_wait3A = arith.constant 0 : i32
      %dma_wait3A_25 = tpu.memref_slice %arg5[%mul3A_2, %dma_wait3A] : memref<2560x128xi32, #tpu.memory_space<hbm>> -> memref<80x128xi32, #tpu.memory_space<hbm>>
      %dma_wait3A_26 = arith.constant 0 : i32
      %dma_wait3A_27 = tpu.memref_slice %arg5[%mul3A_2, %dma_wait3A_26] : memref<2560x128xi32, #tpu.memory_space<hbm>> -> memref<80x128xi32, #tpu.memory_space<hbm>>
      tpu.wait_dma2 semaphore(%run_scoped3A : memref<!tpu.dma_semaphore, #tpu.memory_space<semaphore_mem>>) src(%dma_wait3A_27 : memref<80x128xi32, #tpu.memory_space<hbm>>) dst(%arg12 : memref<80x128xi32, #tpu.memory_space<vmem>>)
      tpu.yield
    }) : () -> ()
    "tpu.region"() ({
      %run_scoped3A = tpu.sem_alloc : memref<!tpu.dma_semaphore, #tpu.memory_space<semaphore_mem>>
      %dma_start3A = arith.constant 0 : i32
      %dma_start3A_22 = tpu.memref_slice %arg6[%mul3A_2, %dma_start3A] : memref<2560x128xi32, #tpu.memory_space<hbm>> -> memref<80x128xi32, #tpu.memory_space<hbm>>
      %dma_start3A_23 = arith.constant 0 : i32
      %dma_start3A_24 = tpu.memref_slice %arg6[%mul3A_2, %dma_start3A_23] : memref<2560x128xi32, #tpu.memory_space<hbm>> -> memref<80x128xi32, #tpu.memory_space<hbm>>
      tpu.enqueue_dma source(%dma_start3A_24 : memref<80x128xi32, #tpu.memory_space<hbm>>) target(%arg13 : memref<80x128xi32, #tpu.memory_space<vmem>>) target_semaphore(%run_scoped3A : memref<!tpu.dma_semaphore, #tpu.memory_space<semaphore_mem>>)
      %dma_wait3A = arith.constant 0 : i32
      %dma_wait3A_25 = tpu.memref_slice %arg6[%mul3A_2, %dma_wait3A] : memref<2560x128xi32, #tpu.memory_space<hbm>> -> memref<80x128xi32, #tpu.memory_space<hbm>>
      %dma_wait3A_26 = arith.constant 0 : i32
      %dma_wait3A_27 = tpu.memref_slice %arg6[%mul3A_2, %dma_wait3A_26] : memref<2560x128xi32, #tpu.memory_space<hbm>> -> memref<80x128xi32, #tpu.memory_space<hbm>>
      tpu.wait_dma2 semaphore(%run_scoped3A : memref<!tpu.dma_semaphore, #tpu.memory_space<semaphore_mem>>) src(%dma_wait3A_27 : memref<80x128xi32, #tpu.memory_space<hbm>>) dst(%arg13 : memref<80x128xi32, #tpu.memory_space<vmem>>)
      tpu.yield
    }) : () -> ()
    %scan3A = arith.constant 0 : i32
    %scan3A_3 = arith.constant 40 : i32
    %scan3A_4 = arith.addi %scan3A, %scan3A_3 : i32
    %scan3A_5 = arith.constant 1 : i32
    scf.for %scan3A_22 = %scan3A to %scan3A_4 step %scan3A_5  : i32 {
      %mul3A_23 = arith.constant 16 : i32
      %mul3A_24 = arith.muli %scan3A_22, %mul3A_23 : i32
      %add3A_25 = arith.constant 0 : i32
      %add3A_26 = arith.addi %add3A_25, %mul3A_24 : i32
      %broadcast_in_dim3A = arith.constant 0.000000e+00 : f32
      %broadcast_in_dim3A_27 = vector.broadcast %broadcast_in_dim3A : f32 to vector<16xf32>
      %swap3A = arith.index_cast %add3A_26 : i32 to index
      %swap3A_28 = tpu.vector_load %arg15[%swap3A] {strides = array<i32>} : memref<640xf32, #tpu.memory_space<vmem>>, vector<16xf32>,
      tpu.vector_store %arg15[%swap3A], %broadcast_in_dim3A_27 {strides = array<i32>} : memref<640xf32, #tpu.memory_space<vmem>>, vector<16xf32>,
    }
    %scan3A_6 = arith.constant 40 : i32
    %mul3A_7 = arith.constant 640 : i32
    %mul3A_8 = arith.muli %arg1, %mul3A_7 : i32
    "tpu.region"() ({
      %run_scoped3A = tpu.sem_alloc : memref<!tpu.dma_semaphore, #tpu.memory_space<semaphore_mem>>
      %dma_start3A = tpu.memref_slice %arg16[%mul3A_8] : memref<10240xf32, #tpu.memory_space<vmem_shared>> -> memref<640xf32, #tpu.memory_space<vmem_shared>>
      %dma_start3A_22 = tpu.memref_slice %arg16[%mul3A_8] : memref<10240xf32, #tpu.memory_space<vmem_shared>> -> memref<640xf32, #tpu.memory_space<vmem_shared>>
      tpu.enqueue_dma source(%arg15 : memref<640xf32, #tpu.memory_space<vmem>>) target(%dma_start3A_22 : memref<640xf32, #tpu.memory_space<vmem_shared>>) target_semaphore(%run_scoped3A : memref<!tpu.dma_semaphore, #tpu.memory_space<semaphore_mem>>)
      %dma_wait3A = tpu.memref_slice %arg16[%mul3A_8] : memref<10240xf32, #tpu.memory_space<vmem_shared>> -> memref<640xf32, #tpu.memory_space<vmem_shared>>
      %dma_wait3A_23 = tpu.memref_slice %arg16[%mul3A_8] : memref<10240xf32, #tpu.memory_space<vmem_shared>> -> memref<640xf32, #tpu.memory_space<vmem_shared>>
      tpu.wait_dma2 semaphore(%run_scoped3A : memref<!tpu.dma_semaphore, #tpu.memory_space<semaphore_mem>>) src(%arg15 : memref<640xf32, #tpu.memory_space<vmem>>) dst(%dma_wait3A_23 : memref<640xf32, #tpu.memory_space<vmem_shared>>)
      tpu.yield
    }) : () -> ()
    %barrier3A = arith.constant 0 : index
    tpu.barrier barrier_id(%barrier3A)
    %scan3A_9 = arith.constant 0 : i32
    %scan3A_10 = arith.constant 80 : i32
    %scan3A_11 = arith.addi %scan3A_9, %scan3A_10 : i32
    %scan3A_12 = arith.constant 1 : i32
    scf.for %scan3A_22 = %scan3A_9 to %scan3A_11 step %scan3A_12  : i32 {
      %mul3A_23 = arith.constant 1 : i32
      %mul3A_24 = arith.muli %scan3A_22, %mul3A_23 : i32
      %add3A_25 = arith.constant 0 : i32
      %add3A_26 = arith.addi %add3A_25, %mul3A_24 : i32
      %scan3A_27 = arith.constant 0 : i32
      %scan3A_28 = arith.constant 8 : i32
      %scan3A_29 = arith.addi %scan3A_27, %scan3A_28 : i32
      %scan3A_30 = arith.constant 1 : i32
      scf.for %scan3A_32 = %scan3A_27 to %scan3A_29 step %scan3A_30  : i32 {
        %mul3A_33 = arith.constant 16 : i32
        %mul3A_34 = arith.muli %scan3A_32, %mul3A_33 : i32
        %add3A_35 = arith.constant 0 : i32
        %add3A_36 = arith.addi %add3A_35, %mul3A_34 : i32
        %get3A = arith.index_cast %add3A_26 : i32 to index
        %get3A_37 = arith.index_cast %add3A_36 : i32 to index
        %get3A_38 = tpu.vector_load %arg12[%get3A, %get3A_37] {strides = array<i32>} : memref<80x128xi32, #tpu.memory_space<vmem>>, vector<16xi32>,
        %get3A_39 = arith.index_cast %add3A_26 : i32 to index
        %get3A_40 = arith.index_cast %add3A_36 : i32 to index
        %get3A_41 = tpu.vector_load %arg13[%get3A_39, %get3A_40] {strides = array<i32>} : memref<80x128xi32, #tpu.memory_space<vmem>>, vector<16xi32>,
        %get3A_42 = arith.index_cast %add3A_26 : i32 to index
        %get3A_43 = arith.index_cast %add3A_36 : i32 to index
        %get3A_44 = tpu.vector_load %arg11[%get3A_42, %get3A_43] {strides = array<i32>} : memref<80x128xf32, #tpu.memory_space<vmem>>, vector<16xf32>,
        %gather3A = tpu.vector_load_idx %arg9[%get3A_38] : memref<10240xf32, #tpu.memory_space<vmem>>[vector<16xi32>], vector<16xf32>,
        %gather3A_45 = tpu.vector_load_idx %arg10[%get3A_41] : memref<10240xf32, #tpu.memory_space<vmem>>[vector<16xi32>], vector<16xf32>,
        %add3A_46 = arith.addf %gather3A, %gather3A_45 : vector<16xf32>
        %add3A_47 = arith.addf %add3A_46, %get3A_44 : vector<16xf32>
        %mul3A_48 = arith.constant 2.000000e-01 : f32
        %mul3A_49 = vector.broadcast %mul3A_48 : f32 to vector<16xf32>
        %mul3A_50 = arith.mulf %add3A_47, %mul3A_49 : vector<16xf32>
        %max3A = arith.maximumf %add3A_47, %mul3A_50 : vector<16xf32>
        %add3A_51 = arith.addi %mul3A_2, %add3A_26 : i32
        %mul3A_52 = arith.constant 128 : i32
        %mul3A_53 = arith.muli %add3A_51, %mul3A_52 : i32
        %add3A_54 = arith.addi %mul3A_53, %add3A_36 : i32
        %iota3A = tpu.iota {dimensions = array<i32: 0>} : vector<16xi32>
        %add3A_55 = vector.broadcast %add3A_54 : i32 to vector<16xi32>
        %add3A_56 = arith.addi %add3A_55, %iota3A : vector<16xi32>
        %lt3A = arith.constant 320000 : i32
        %lt3A_57 = vector.broadcast %lt3A : i32 to vector<16xi32>
        %lt3A_58 = arith.cmpi slt, %add3A_56, %lt3A_57 : vector<16xi32>
        %exp3A = math.exp %max3A : vector<16xf32>
        %jit3A = arith.constant 0.000000e+00 : f32
        %broadcast_in_dim3A = vector.broadcast %jit3A : f32 to vector<16xf32>
        %select_n3A = arith.select %lt3A_58, %exp3A, %broadcast_in_dim3A : vector<16xi1>, vector<16xf32>
        %swap3A = arith.index_cast %add3A_26 : i32 to index
        %swap3A_59 = arith.index_cast %add3A_36 : i32 to index
        %swap3A_60 = tpu.vector_load %arg14[%swap3A, %swap3A_59] {strides = array<i32>} : memref<80x128xf32, #tpu.memory_space<vmem>>, vector<16xf32>,
        tpu.vector_store %arg14[%swap3A, %swap3A_59], %select_n3A {strides = array<i32>} : memref<80x128xf32, #tpu.memory_space<vmem>>, vector<16xf32>,
      }
      %scan3A_31 = arith.constant 8 : i32
    }
    %scan3A_13 = arith.constant 80 : i32
    %scan3A_14 = arith.constant 0 : i32
    %scan3A_15 = arith.constant 80 : i32
    %scan3A_16 = arith.addi %scan3A_14, %scan3A_15 : i32
    %scan3A_17 = arith.constant 1 : i32
    scf.for %scan3A_22 = %scan3A_14 to %scan3A_16 step %scan3A_17  : i32 {
      %mul3A_23 = arith.constant 1 : i32
      %mul3A_24 = arith.muli %scan3A_22, %mul3A_23 : i32
      %add3A_25 = arith.constant 0 : i32
      %add3A_26 = arith.addi %add3A_25, %mul3A_24 : i32
      "tpu.region"() ({
        %run_scoped3A = tpu.sem_alloc : memref<!tpu.dma_semaphore, #tpu.memory_space<semaphore_mem>>
        %dma_start3A = arith.constant 0 : i32
        %dma_start3A_27 = tpu.memref_slice %arg14[%add3A_26, %dma_start3A] : memref<80x128xf32, #tpu.memory_space<vmem>> -> memref<1x128xf32, #tpu.memory_space<vmem>>
        %dma_start3A_28 = tpu.memref_squeeze %dma_start3A_27 : memref<1x128xf32, #tpu.memory_space<vmem>> -> memref<128xf32, #tpu.memory_space<vmem>>
        %dma_start3A_29 = arith.constant 0 : i32
        %dma_start3A_30 = tpu.memref_slice %arg12[%add3A_26, %dma_start3A_29] : memref<80x128xi32, #tpu.memory_space<vmem>> -> memref<1x128xi32, #tpu.memory_space<vmem>>
        %dma_start3A_31 = tpu.memref_squeeze %dma_start3A_30 : memref<1x128xi32, #tpu.memory_space<vmem>> -> memref<128xi32, #tpu.memory_space<vmem>>
        %dma_start3A_32 = arith.constant 0 : i32
        %dma_start3A_33 = tpu.memref_slice %arg16[%dma_start3A_32] : memref<10240xf32, #tpu.memory_space<vmem_shared>> -> memref<10240xf32, #tpu.memory_space<vmem_shared>>
        tpu.enqueue_indirect_dma source(%dma_start3A_28 : memref<128xf32, #tpu.memory_space<vmem>>) target(%dma_start3A_33 : memref<10240xf32, #tpu.memory_space<vmem_shared>>) offsets(%dma_start3A_31 : memref<128xi32, #tpu.memory_space<vmem>>) semaphore(%run_scoped3A : memref<!tpu.dma_semaphore, #tpu.memory_space<semaphore_mem>>) {add = true}
        %dma_wait3A = arith.constant 0 : i32
        %dma_wait3A_34 = tpu.memref_slice %arg14[%add3A_26, %dma_wait3A] : memref<80x128xf32, #tpu.memory_space<vmem>> -> memref<1x128xf32, #tpu.memory_space<vmem>>
        %dma_wait3A_35 = tpu.memref_squeeze %dma_wait3A_34 : memref<1x128xf32, #tpu.memory_space<vmem>> -> memref<128xf32, #tpu.memory_space<vmem>>
        %dma_wait3A_36 = arith.constant 0 : i32
        %dma_wait3A_37 = tpu.memref_slice %arg12[%add3A_26, %dma_wait3A_36] : memref<80x128xi32, #tpu.memory_space<vmem>> -> memref<1x128xi32, #tpu.memory_space<vmem>>
        %dma_wait3A_38 = tpu.memref_squeeze %dma_wait3A_37 : memref<1x128xi32, #tpu.memory_space<vmem>> -> memref<128xi32, #tpu.memory_space<vmem>>
        %dma_wait3A_39 = arith.constant 0 : i32
        %dma_wait3A_40 = tpu.memref_slice %arg16[%dma_wait3A_39] : memref<10240xf32, #tpu.memory_space<vmem_shared>> -> memref<10240xf32, #tpu.memory_space<vmem_shared>>
        tpu.wait_indirect_dma semaphore(%run_scoped3A : memref<!tpu.dma_semaphore, #tpu.memory_space<semaphore_mem>>) src(%dma_wait3A_35 : memref<128xf32, #tpu.memory_space<vmem>>) dst(%dma_wait3A_40 : memref<10240xf32, #tpu.memory_space<vmem_shared>>)
        tpu.yield
      }) : () -> ()
    }
    %scan3A_18 = arith.constant 80 : i32
    %barrier3A_19 = arith.constant 0 : index
    tpu.barrier barrier_id(%barrier3A_19)
    "tpu.region"() ({
      %run_scoped3A = tpu.sem_alloc : memref<!tpu.dma_semaphore, #tpu.memory_space<semaphore_mem>>
      %dma_start3A = arith.constant 0 : i32
      %dma_start3A_22 = tpu.memref_slice %arg7[%mul3A_2, %dma_start3A] : memref<2560x128xf32, #tpu.memory_space<hbm>> -> memref<80x128xf32, #tpu.memory_space<hbm>>
      %dma_start3A_23 = arith.constant 0 : i32
      %dma_start3A_24 = tpu.memref_slice %arg7[%mul3A_2, %dma_start3A_23] : memref<2560x128xf32, #tpu.memory_space<hbm>> -> memref<80x128xf32, #tpu.memory_space<hbm>>
      tpu.enqueue_dma source(%arg14 : memref<80x128xf32, #tpu.memory_space<vmem>>) target(%dma_start3A_24 : memref<80x128xf32, #tpu.memory_space<hbm>>) target_semaphore(%run_scoped3A : memref<!tpu.dma_semaphore, #tpu.memory_space<semaphore_mem>>)
      %dma_wait3A = arith.constant 0 : i32
      %dma_wait3A_25 = tpu.memref_slice %arg7[%mul3A_2, %dma_wait3A] : memref<2560x128xf32, #tpu.memory_space<hbm>> -> memref<80x128xf32, #tpu.memory_space<hbm>>
      %dma_wait3A_26 = arith.constant 0 : i32
      %dma_wait3A_27 = tpu.memref_slice %arg7[%mul3A_2, %dma_wait3A_26] : memref<2560x128xf32, #tpu.memory_space<hbm>> -> memref<80x128xf32, #tpu.memory_space<hbm>>
      tpu.wait_dma2 semaphore(%run_scoped3A : memref<!tpu.dma_semaphore, #tpu.memory_space<semaphore_mem>>) src(%arg14 : memref<80x128xf32, #tpu.memory_space<vmem>>) dst(%dma_wait3A_27 : memref<80x128xf32, #tpu.memory_space<hbm>>)
      tpu.yield
    }) : () -> ()
    %eq3A = arith.constant 0 : i32
    %eq3A_20 = arith.cmpi eq, %arg1, %eq3A : i32
    %convert_element_type3A = arith.extui %eq3A_20 : i1 to i32
    %cond3A = arith.constant 0 : i32
    %cond3A_21 = arith.cmpi ne, %convert_element_type3A, %cond3A : i32
    scf.if %cond3A_21 {
      "tpu.region"() ({
        %run_scoped3A = tpu.sem_alloc : memref<!tpu.dma_semaphore, #tpu.memory_space<semaphore_mem>>
        %dma_start3A = arith.constant 0 : i32
        %dma_start3A_22 = tpu.memref_slice %arg8[%arg0, %dma_start3A] : memref<2x10240xf32, #tpu.memory_space<hbm>> -> memref<1x10240xf32, #tpu.memory_space<hbm>>
        %dma_start3A_23 = tpu.memref_squeeze %dma_start3A_22 : memref<1x10240xf32, #tpu.memory_space<hbm>> -> memref<10240xf32, #tpu.memory_space<hbm>>
        tpu.enqueue_dma source(%arg16 : memref<10240xf32, #tpu.memory_space<vmem_shared>>) target(%dma_start3A_23 : memref<10240xf32, #tpu.memory_space<hbm>>) target_semaphore(%run_scoped3A : memref<!tpu.dma_semaphore, #tpu.memory_space<semaphore_mem>>)
        %dma_wait3A = arith.constant 0 : i32
        %dma_wait3A_24 = tpu.memref_slice %arg8[%arg0, %dma_wait3A] : memref<2x10240xf32, #tpu.memory_space<hbm>> -> memref<1x10240xf32, #tpu.memory_space<hbm>>
        %dma_wait3A_25 = tpu.memref_squeeze %dma_wait3A_24 : memref<1x10240xf32, #tpu.memory_space<hbm>> -> memref<10240xf32, #tpu.memory_space<hbm>>
        tpu.wait_dma2 semaphore(%run_scoped3A : memref<!tpu.dma_semaphore, #tpu.memory_space<semaphore_mem>>) src(%arg16 : memref<10240xf32, #tpu.memory_space<vmem_shared>>) dst(%dma_wait3A_25 : memref<10240xf32, #tpu.memory_space<hbm>>)
        tpu.yield
      }) : () -> ()
    } else {
    }
    return
  }
}

#map = affine_map<(d0, d1) -> (0, 0)>
module attributes {stable_mosaic.version = 14 : i64} {
  func.func @k(%arg0: i32, %arg1: i32, %arg2: memref<10240x128xf32, #tpu.memory_space<hbm>>, %arg3: memref<10240x128xf32, #tpu.memory_space<hbm>>, %arg4: memref<2560x128xi32, #tpu.memory_space<hbm>>, %arg5: memref<2560x128xi32, #tpu.memory_space<hbm>>, %arg6: memref<327680x128xf32, #tpu.memory_space<hbm>>, %arg7: memref<327680x128xf32, #tpu.memory_space<hbm>>, %arg8: memref<80x128xi32, #tpu.memory_space<vmem>>, %arg9: memref<2x128x128xf32, #tpu.memory_space<vmem>>, %arg10: memref<10240x128xf32, #tpu.memory_space<vmem_shared>>, %arg11: memref<!tpu.dma_semaphore, #tpu.memory_space<semaphore_mem>>, %arg12: memref<!tpu.dma_semaphore, #tpu.memory_space<semaphore_mem>>) attributes {dimension_semantics = [#tpu.dimension_semantics<core_parallel>, #tpu.dimension_semantics<subcore_parallel>], iteration_bounds = array<i64: 2, 16>, scalar_prefetch = 0 : i64, scratch_operands = 5 : i64, tpu.core_type = #tpu.core_type<sc_vector_subcore>, window_params = [{transform_indices = #map}, {transform_indices = #map}, {transform_indices = #map}, {transform_indices = #map}, {transform_indices = #map}, {transform_indices = #map}]} {
    %mul3A = arith.constant 2 : i32
    %mul3A_0 = arith.muli %arg1, %mul3A : i32
    %add3A = arith.addi %mul3A_0, %arg0 : i32
    %mul3A_1 = arith.constant 80 : i32
    %mul3A_2 = arith.muli %add3A, %mul3A_1 : i32
    "tpu.region"() ({
      %run_scoped3A = tpu.sem_alloc : memref<!tpu.dma_semaphore, #tpu.memory_space<semaphore_mem>>
      %dma_start3A = arith.constant 0 : i32
      %dma_start3A_25 = tpu.memref_slice %arg4[%mul3A_2, %dma_start3A] : memref<2560x128xi32, #tpu.memory_space<hbm>> -> memref<80x128xi32, #tpu.memory_space<hbm>>
      %dma_start3A_26 = arith.constant 0 : i32
      %dma_start3A_27 = tpu.memref_slice %arg4[%mul3A_2, %dma_start3A_26] : memref<2560x128xi32, #tpu.memory_space<hbm>> -> memref<80x128xi32, #tpu.memory_space<hbm>>
      tpu.enqueue_dma source(%dma_start3A_27 : memref<80x128xi32, #tpu.memory_space<hbm>>) target(%arg8 : memref<80x128xi32, #tpu.memory_space<vmem>>) target_semaphore(%run_scoped3A : memref<!tpu.dma_semaphore, #tpu.memory_space<semaphore_mem>>)
      %dma_wait3A = arith.constant 0 : i32
      %dma_wait3A_28 = tpu.memref_slice %arg4[%mul3A_2, %dma_wait3A] : memref<2560x128xi32, #tpu.memory_space<hbm>> -> memref<80x128xi32, #tpu.memory_space<hbm>>
      %dma_wait3A_29 = arith.constant 0 : i32
      %dma_wait3A_30 = tpu.memref_slice %arg4[%mul3A_2, %dma_wait3A_29] : memref<2560x128xi32, #tpu.memory_space<hbm>> -> memref<80x128xi32, #tpu.memory_space<hbm>>
      tpu.wait_dma2 semaphore(%run_scoped3A : memref<!tpu.dma_semaphore, #tpu.memory_space<semaphore_mem>>) src(%dma_wait3A_30 : memref<80x128xi32, #tpu.memory_space<hbm>>) dst(%arg8 : memref<80x128xi32, #tpu.memory_space<vmem>>)
      tpu.yield
    }) : () -> ()
    %scan3A = arith.constant 0 : i32
    %scan3A_3 = arith.constant 5 : i32
    %scan3A_4 = arith.addi %scan3A, %scan3A_3 : i32
    %scan3A_5 = arith.constant 1 : i32
    scf.for %scan3A_25 = %scan3A to %scan3A_4 step %scan3A_5  : i32 {
      %mul3A_26 = arith.constant 128 : i32
      %mul3A_27 = arith.muli %scan3A_25, %mul3A_26 : i32
      %add3A_28 = arith.constant 0 : i32
      %add3A_29 = arith.addi %add3A_28, %mul3A_27 : i32
      %mul3A_30 = arith.constant 640 : i32
      %mul3A_31 = arith.muli %arg1, %mul3A_30 : i32
      %add3A_32 = arith.addi %mul3A_31, %add3A_29 : i32
      %run_scoped3A = arith.constant 0 : i32
      "tpu.region"() ({
        %run_scoped3A_34 = tpu.sem_alloc : memref<!tpu.dma_semaphore, #tpu.memory_space<semaphore_mem>>
        %dma_start3A = arith.constant 0 : i32
        %dma_start3A_35 = arith.constant 0 : i32
        %dma_start3A_36 = tpu.memref_slice %arg9[%run_scoped3A, %dma_start3A, %dma_start3A_35] : memref<2x128x128xf32, #tpu.memory_space<vmem>> -> memref<1x128x128xf32, #tpu.memory_space<vmem>>
        %dma_start3A_37 = tpu.memref_squeeze %dma_start3A_36 : memref<1x128x128xf32, #tpu.memory_space<vmem>> -> memref<128x128xf32, #tpu.memory_space<vmem>>
        %dma_start3A_38 = arith.constant 0 : i32
        %dma_start3A_39 = tpu.memref_slice %arg2[%add3A_32, %dma_start3A_38] : memref<10240x128xf32, #tpu.memory_space<hbm>> -> memref<128x128xf32, #tpu.memory_space<hbm>>
        %dma_start3A_40 = arith.constant 0 : i32
        %dma_start3A_41 = arith.constant 0 : i32
        %dma_start3A_42 = tpu.memref_slice %arg9[%run_scoped3A, %dma_start3A_40, %dma_start3A_41] : memref<2x128x128xf32, #tpu.memory_space<vmem>> -> memref<1x128x128xf32, #tpu.memory_space<vmem>>
        %dma_start3A_43 = tpu.memref_squeeze %dma_start3A_42 : memref<1x128x128xf32, #tpu.memory_space<vmem>> -> memref<128x128xf32, #tpu.memory_space<vmem>>
        %dma_start3A_44 = arith.constant 0 : i32
        %dma_start3A_45 = tpu.memref_slice %arg2[%add3A_32, %dma_start3A_44] : memref<10240x128xf32, #tpu.memory_space<hbm>> -> memref<128x128xf32, #tpu.memory_space<hbm>>
        tpu.enqueue_dma source(%dma_start3A_45 : memref<128x128xf32, #tpu.memory_space<hbm>>) target(%dma_start3A_43 : memref<128x128xf32, #tpu.memory_space<vmem>>) target_semaphore(%run_scoped3A_34 : memref<!tpu.dma_semaphore, #tpu.memory_space<semaphore_mem>>)
        %dma_wait3A = arith.constant 0 : i32
        %dma_wait3A_46 = arith.constant 0 : i32
        %dma_wait3A_47 = tpu.memref_slice %arg9[%run_scoped3A, %dma_wait3A, %dma_wait3A_46] : memref<2x128x128xf32, #tpu.memory_space<vmem>> -> memref<1x128x128xf32, #tpu.memory_space<vmem>>
        %dma_wait3A_48 = tpu.memref_squeeze %dma_wait3A_47 : memref<1x128x128xf32, #tpu.memory_space<vmem>> -> memref<128x128xf32, #tpu.memory_space<vmem>>
        %dma_wait3A_49 = arith.constant 0 : i32
        %dma_wait3A_50 = tpu.memref_slice %arg2[%add3A_32, %dma_wait3A_49] : memref<10240x128xf32, #tpu.memory_space<hbm>> -> memref<128x128xf32, #tpu.memory_space<hbm>>
        %dma_wait3A_51 = arith.constant 0 : i32
        %dma_wait3A_52 = arith.constant 0 : i32
        %dma_wait3A_53 = tpu.memref_slice %arg9[%run_scoped3A, %dma_wait3A_51, %dma_wait3A_52] : memref<2x128x128xf32, #tpu.memory_space<vmem>> -> memref<1x128x128xf32, #tpu.memory_space<vmem>>
        %dma_wait3A_54 = tpu.memref_squeeze %dma_wait3A_53 : memref<1x128x128xf32, #tpu.memory_space<vmem>> -> memref<128x128xf32, #tpu.memory_space<vmem>>
        %dma_wait3A_55 = arith.constant 0 : i32
        %dma_wait3A_56 = tpu.memref_slice %arg2[%add3A_32, %dma_wait3A_55] : memref<10240x128xf32, #tpu.memory_space<hbm>> -> memref<128x128xf32, #tpu.memory_space<hbm>>
        tpu.wait_dma2 semaphore(%run_scoped3A_34 : memref<!tpu.dma_semaphore, #tpu.memory_space<semaphore_mem>>) src(%dma_wait3A_56 : memref<128x128xf32, #tpu.memory_space<hbm>>) dst(%dma_wait3A_54 : memref<128x128xf32, #tpu.memory_space<vmem>>)
        tpu.yield
      }) : () -> ()
      %run_scoped3A_33 = arith.constant 0 : i32
      "tpu.region"() ({
        %run_scoped3A_34 = tpu.sem_alloc : memref<!tpu.dma_semaphore, #tpu.memory_space<semaphore_mem>>
        %dma_start3A = arith.constant 0 : i32
        %dma_start3A_35 = arith.constant 0 : i32
        %dma_start3A_36 = tpu.memref_slice %arg9[%run_scoped3A_33, %dma_start3A, %dma_start3A_35] : memref<2x128x128xf32, #tpu.memory_space<vmem>> -> memref<1x128x128xf32, #tpu.memory_space<vmem>>
        %dma_start3A_37 = tpu.memref_squeeze %dma_start3A_36 : memref<1x128x128xf32, #tpu.memory_space<vmem>> -> memref<128x128xf32, #tpu.memory_space<vmem>>
        %dma_start3A_38 = arith.constant 0 : i32
        %dma_start3A_39 = tpu.memref_slice %arg10[%add3A_32, %dma_start3A_38] : memref<10240x128xf32, #tpu.memory_space<vmem_shared>> -> memref<128x128xf32, #tpu.memory_space<vmem_shared>>
        %dma_start3A_40 = arith.constant 0 : i32
        %dma_start3A_41 = tpu.memref_slice %arg10[%add3A_32, %dma_start3A_40] : memref<10240x128xf32, #tpu.memory_space<vmem_shared>> -> memref<128x128xf32, #tpu.memory_space<vmem_shared>>
        %dma_start3A_42 = arith.constant 0 : i32
        %dma_start3A_43 = arith.constant 0 : i32
        %dma_start3A_44 = tpu.memref_slice %arg9[%run_scoped3A_33, %dma_start3A_42, %dma_start3A_43] : memref<2x128x128xf32, #tpu.memory_space<vmem>> -> memref<1x128x128xf32, #tpu.memory_space<vmem>>
        %dma_start3A_45 = tpu.memref_squeeze %dma_start3A_44 : memref<1x128x128xf32, #tpu.memory_space<vmem>> -> memref<128x128xf32, #tpu.memory_space<vmem>>
        tpu.enqueue_dma source(%dma_start3A_45 : memref<128x128xf32, #tpu.memory_space<vmem>>) target(%dma_start3A_41 : memref<128x128xf32, #tpu.memory_space<vmem_shared>>) target_semaphore(%run_scoped3A_34 : memref<!tpu.dma_semaphore, #tpu.memory_space<semaphore_mem>>)
        %dma_wait3A = arith.constant 0 : i32
        %dma_wait3A_46 = arith.constant 0 : i32
        %dma_wait3A_47 = tpu.memref_slice %arg9[%run_scoped3A_33, %dma_wait3A, %dma_wait3A_46] : memref<2x128x128xf32, #tpu.memory_space<vmem>> -> memref<1x128x128xf32, #tpu.memory_space<vmem>>
        %dma_wait3A_48 = tpu.memref_squeeze %dma_wait3A_47 : memref<1x128x128xf32, #tpu.memory_space<vmem>> -> memref<128x128xf32, #tpu.memory_space<vmem>>
        %dma_wait3A_49 = arith.constant 0 : i32
        %dma_wait3A_50 = tpu.memref_slice %arg10[%add3A_32, %dma_wait3A_49] : memref<10240x128xf32, #tpu.memory_space<vmem_shared>> -> memref<128x128xf32, #tpu.memory_space<vmem_shared>>
        %dma_wait3A_51 = arith.constant 0 : i32
        %dma_wait3A_52 = tpu.memref_slice %arg10[%add3A_32, %dma_wait3A_51] : memref<10240x128xf32, #tpu.memory_space<vmem_shared>> -> memref<128x128xf32, #tpu.memory_space<vmem_shared>>
        %dma_wait3A_53 = arith.constant 0 : i32
        %dma_wait3A_54 = arith.constant 0 : i32
        %dma_wait3A_55 = tpu.memref_slice %arg9[%run_scoped3A_33, %dma_wait3A_53, %dma_wait3A_54] : memref<2x128x128xf32, #tpu.memory_space<vmem>> -> memref<1x128x128xf32, #tpu.memory_space<vmem>>
        %dma_wait3A_56 = tpu.memref_squeeze %dma_wait3A_55 : memref<1x128x128xf32, #tpu.memory_space<vmem>> -> memref<128x128xf32, #tpu.memory_space<vmem>>
        tpu.wait_dma2 semaphore(%run_scoped3A_34 : memref<!tpu.dma_semaphore, #tpu.memory_space<semaphore_mem>>) src(%dma_wait3A_56 : memref<128x128xf32, #tpu.memory_space<vmem>>) dst(%dma_wait3A_52 : memref<128x128xf32, #tpu.memory_space<vmem_shared>>)
        tpu.yield
      }) : () -> ()
    }
    %scan3A_6 = arith.constant 5 : i32
    %barrier3A = arith.constant 0 : index
    tpu.barrier barrier_id(%barrier3A)
    %scan3A_7 = arith.constant 0 : i32
    %scan3A_8 = arith.constant 40 : i32
    %scan3A_9 = arith.addi %scan3A_7, %scan3A_8 : i32
    %scan3A_10 = arith.constant 1 : i32
    scf.for %scan3A_25 = %scan3A_7 to %scan3A_9 step %scan3A_10  : i32 {
      %mul3A_26 = arith.constant 2 : i32
      %mul3A_27 = arith.muli %scan3A_25, %mul3A_26 : i32
      %add3A_28 = arith.constant 0 : i32
      %add3A_29 = arith.addi %add3A_28, %mul3A_27 : i32
      %add3A_30 = arith.constant 0 : i32
      %add3A_31 = arith.addi %add3A_29, %add3A_30 : i32
      %dma_start3A = arith.constant 0 : i32
      %dma_start3A_32 = arith.constant 0 : i32
      %dma_start3A_33 = arith.constant 0 : i32
      %dma_start3A_34 = tpu.memref_slice %arg9[%dma_start3A, %dma_start3A_32, %dma_start3A_33] : memref<2x128x128xf32, #tpu.memory_space<vmem>> -> memref<1x128x128xf32, #tpu.memory_space<vmem>>
      %dma_start3A_35 = tpu.memref_squeeze %dma_start3A_34 : memref<1x128x128xf32, #tpu.memory_space<vmem>> -> memref<128x128xf32, #tpu.memory_space<vmem>>
      %dma_start3A_36 = arith.constant 0 : i32
      %dma_start3A_37 = tpu.memref_slice %arg8[%add3A_31, %dma_start3A_36] : memref<80x128xi32, #tpu.memory_space<vmem>> -> memref<1x128xi32, #tpu.memory_space<vmem>>
      %dma_start3A_38 = tpu.memref_squeeze %dma_start3A_37 : memref<1x128xi32, #tpu.memory_space<vmem>> -> memref<128xi32, #tpu.memory_space<vmem>>
      %dma_start3A_39 = arith.constant 0 : i32
      %dma_start3A_40 = arith.constant 0 : i32
      %dma_start3A_41 = tpu.memref_slice %arg10[%dma_start3A_39, %dma_start3A_40] : memref<10240x128xf32, #tpu.memory_space<vmem_shared>> -> memref<10240x128xf32, #tpu.memory_space<vmem_shared>>
      tpu.enqueue_indirect_dma source(%dma_start3A_41 : memref<10240x128xf32, #tpu.memory_space<vmem_shared>>) target(%dma_start3A_35 : memref<128x128xf32, #tpu.memory_space<vmem>>) offsets(%dma_start3A_38 : memref<128xi32, #tpu.memory_space<vmem>>) semaphore(%arg11 : memref<!tpu.dma_semaphore, #tpu.memory_space<semaphore_mem>>)
      %add3A_42 = arith.constant 1 : i32
      %add3A_43 = arith.addi %add3A_29, %add3A_42 : i32
      %dma_start3A_44 = arith.constant 1 : i32
      %dma_start3A_45 = arith.constant 0 : i32
      %dma_start3A_46 = arith.constant 0 : i32
      %dma_start3A_47 = tpu.memref_slice %arg9[%dma_start3A_44, %dma_start3A_45, %dma_start3A_46] : memref<2x128x128xf32, #tpu.memory_space<vmem>> -> memref<1x128x128xf32, #tpu.memory_space<vmem>>
      %dma_start3A_48 = tpu.memref_squeeze %dma_start3A_47 : memref<1x128x128xf32, #tpu.memory_space<vmem>> -> memref<128x128xf32, #tpu.memory_space<vmem>>
      %dma_start3A_49 = arith.constant 0 : i32
      %dma_start3A_50 = tpu.memref_slice %arg8[%add3A_43, %dma_start3A_49] : memref<80x128xi32, #tpu.memory_space<vmem>> -> memref<1x128xi32, #tpu.memory_space<vmem>>
      %dma_start3A_51 = tpu.memref_squeeze %dma_start3A_50 : memref<1x128xi32, #tpu.memory_space<vmem>> -> memref<128xi32, #tpu.memory_space<vmem>>
      %dma_start3A_52 = arith.constant 0 : i32
      %dma_start3A_53 = arith.constant 0 : i32
      %dma_start3A_54 = tpu.memref_slice %arg10[%dma_start3A_52, %dma_start3A_53] : memref<10240x128xf32, #tpu.memory_space<vmem_shared>> -> memref<10240x128xf32, #tpu.memory_space<vmem_shared>>
      tpu.enqueue_indirect_dma source(%dma_start3A_54 : memref<10240x128xf32, #tpu.memory_space<vmem_shared>>) target(%dma_start3A_48 : memref<128x128xf32, #tpu.memory_space<vmem>>) offsets(%dma_start3A_51 : memref<128xi32, #tpu.memory_space<vmem>>) semaphore(%arg11 : memref<!tpu.dma_semaphore, #tpu.memory_space<semaphore_mem>>)
      %dma_wait3A = arith.constant 0 : i32
      %dma_wait3A_55 = arith.constant 0 : i32
      %dma_wait3A_56 = arith.constant 0 : i32
      %dma_wait3A_57 = tpu.memref_slice %arg9[%dma_wait3A, %dma_wait3A_55, %dma_wait3A_56] : memref<2x128x128xf32, #tpu.memory_space<vmem>> -> memref<1x128x128xf32, #tpu.memory_space<vmem>>
      %dma_wait3A_58 = tpu.memref_squeeze %dma_wait3A_57 : memref<1x128x128xf32, #tpu.memory_space<vmem>> -> memref<128x128xf32, #tpu.memory_space<vmem>>
      %dma_wait3A_59 = arith.constant 0 : i32
      %dma_wait3A_60 = tpu.memref_slice %arg8[%add3A_31, %dma_wait3A_59] : memref<80x128xi32, #tpu.memory_space<vmem>> -> memref<1x128xi32, #tpu.memory_space<vmem>>
      %dma_wait3A_61 = tpu.memref_squeeze %dma_wait3A_60 : memref<1x128xi32, #tpu.memory_space<vmem>> -> memref<128xi32, #tpu.memory_space<vmem>>
      %dma_wait3A_62 = arith.constant 0 : i32
      %dma_wait3A_63 = arith.constant 0 : i32
      %dma_wait3A_64 = tpu.memref_slice %arg10[%dma_wait3A_62, %dma_wait3A_63] : memref<10240x128xf32, #tpu.memory_space<vmem_shared>> -> memref<10240x128xf32, #tpu.memory_space<vmem_shared>>
      tpu.wait_indirect_dma semaphore(%arg11 : memref<!tpu.dma_semaphore, #tpu.memory_space<semaphore_mem>>) src(%dma_wait3A_64 : memref<10240x128xf32, #tpu.memory_space<vmem_shared>>) dst(%dma_wait3A_58 : memref<128x128xf32, #tpu.memory_space<vmem>>)
      %dma_wait3A_65 = arith.constant 1 : i32
      %dma_wait3A_66 = arith.constant 0 : i32
      %dma_wait3A_67 = arith.constant 0 : i32
      %dma_wait3A_68 = tpu.memref_slice %arg9[%dma_wait3A_65, %dma_wait3A_66, %dma_wait3A_67] : memref<2x128x128xf32, #tpu.memory_space<vmem>> -> memref<1x128x128xf32, #tpu.memory_space<vmem>>
      %dma_wait3A_69 = tpu.memref_squeeze %dma_wait3A_68 : memref<1x128x128xf32, #tpu.memory_space<vmem>> -> memref<128x128xf32, #tpu.memory_space<vmem>>
      %dma_wait3A_70 = arith.constant 0 : i32
      %dma_wait3A_71 = tpu.memref_slice %arg8[%add3A_43, %dma_wait3A_70] : memref<80x128xi32, #tpu.memory_space<vmem>> -> memref<1x128xi32, #tpu.memory_space<vmem>>
      %dma_wait3A_72 = tpu.memref_squeeze %dma_wait3A_71 : memref<1x128xi32, #tpu.memory_space<vmem>> -> memref<128xi32, #tpu.memory_space<vmem>>
      %dma_wait3A_73 = arith.constant 0 : i32
      %dma_wait3A_74 = arith.constant 0 : i32
      %dma_wait3A_75 = tpu.memref_slice %arg10[%dma_wait3A_73, %dma_wait3A_74] : memref<10240x128xf32, #tpu.memory_space<vmem_shared>> -> memref<10240x128xf32, #tpu.memory_space<vmem_shared>>
      tpu.wait_indirect_dma semaphore(%arg11 : memref<!tpu.dma_semaphore, #tpu.memory_space<semaphore_mem>>) src(%dma_wait3A_75 : memref<10240x128xf32, #tpu.memory_space<vmem_shared>>) dst(%dma_wait3A_69 : memref<128x128xf32, #tpu.memory_space<vmem>>)
      %add3A_76 = arith.addi %mul3A_2, %add3A_29 : i32
      %mul3A_77 = arith.constant 128 : i32
      %mul3A_78 = arith.muli %add3A_76, %mul3A_77 : i32
      %add3A_79 = arith.constant 0 : i32
      %add3A_80 = arith.addi %mul3A_78, %add3A_79 : i32
      %dma_start3A_81 = arith.constant 0 : i32
      %dma_start3A_82 = arith.constant 0 : i32
      %dma_start3A_83 = arith.constant 0 : i32
      %dma_start3A_84 = tpu.memref_slice %arg9[%dma_start3A_81, %dma_start3A_82, %dma_start3A_83] : memref<2x128x128xf32, #tpu.memory_space<vmem>> -> memref<1x128x128xf32, #tpu.memory_space<vmem>>
      %dma_start3A_85 = tpu.memref_squeeze %dma_start3A_84 : memref<1x128x128xf32, #tpu.memory_space<vmem>> -> memref<128x128xf32, #tpu.memory_space<vmem>>
      %dma_start3A_86 = arith.constant 0 : i32
      %dma_start3A_87 = tpu.memref_slice %arg6[%add3A_80, %dma_start3A_86] : memref<327680x128xf32, #tpu.memory_space<hbm>> -> memref<128x128xf32, #tpu.memory_space<hbm>>
      %dma_start3A_88 = arith.constant 0 : i32
      %dma_start3A_89 = tpu.memref_slice %arg6[%add3A_80, %dma_start3A_88] : memref<327680x128xf32, #tpu.memory_space<hbm>> -> memref<128x128xf32, #tpu.memory_space<hbm>>
      %dma_start3A_90 = arith.constant 0 : i32
      %dma_start3A_91 = arith.constant 0 : i32
      %dma_start3A_92 = tpu.memref_slice %arg9[%dma_start3A_81, %dma_start3A_90, %dma_start3A_91] : memref<2x128x128xf32, #tpu.memory_space<vmem>> -> memref<1x128x128xf32, #tpu.memory_space<vmem>>
      %dma_start3A_93 = tpu.memref_squeeze %dma_start3A_92 : memref<1x128x128xf32, #tpu.memory_space<vmem>> -> memref<128x128xf32, #tpu.memory_space<vmem>>
      tpu.enqueue_dma source(%dma_start3A_93 : memref<128x128xf32, #tpu.memory_space<vmem>>) target(%dma_start3A_89 : memref<128x128xf32, #tpu.memory_space<hbm>>) target_semaphore(%arg12 : memref<!tpu.dma_semaphore, #tpu.memory_space<semaphore_mem>>)
      %add3A_94 = arith.constant 128 : i32
      %add3A_95 = arith.addi %mul3A_78, %add3A_94 : i32
      %dma_start3A_96 = arith.constant 1 : i32
      %dma_start3A_97 = arith.constant 0 : i32
      %dma_start3A_98 = arith.constant 0 : i32
      %dma_start3A_99 = tpu.memref_slice %arg9[%dma_start3A_96, %dma_start3A_97, %dma_start3A_98] : memref<2x128x128xf32, #tpu.memory_space<vmem>> -> memref<1x128x128xf32, #tpu.memory_space<vmem>>
      %dma_start3A_100 = tpu.memref_squeeze %dma_start3A_99 : memref<1x128x128xf32, #tpu.memory_space<vmem>> -> memref<128x128xf32, #tpu.memory_space<vmem>>
      %dma_start3A_101 = arith.constant 0 : i32
      %dma_start3A_102 = tpu.memref_slice %arg6[%add3A_95, %dma_start3A_101] : memref<327680x128xf32, #tpu.memory_space<hbm>> -> memref<128x128xf32, #tpu.memory_space<hbm>>
      %dma_start3A_103 = arith.constant 0 : i32
      %dma_start3A_104 = tpu.memref_slice %arg6[%add3A_95, %dma_start3A_103] : memref<327680x128xf32, #tpu.memory_space<hbm>> -> memref<128x128xf32, #tpu.memory_space<hbm>>
      %dma_start3A_105 = arith.constant 0 : i32
      %dma_start3A_106 = arith.constant 0 : i32
      %dma_start3A_107 = tpu.memref_slice %arg9[%dma_start3A_96, %dma_start3A_105, %dma_start3A_106] : memref<2x128x128xf32, #tpu.memory_space<vmem>> -> memref<1x128x128xf32, #tpu.memory_space<vmem>>
      %dma_start3A_108 = tpu.memref_squeeze %dma_start3A_107 : memref<1x128x128xf32, #tpu.memory_space<vmem>> -> memref<128x128xf32, #tpu.memory_space<vmem>>
      tpu.enqueue_dma source(%dma_start3A_108 : memref<128x128xf32, #tpu.memory_space<vmem>>) target(%dma_start3A_104 : memref<128x128xf32, #tpu.memory_space<hbm>>) target_semaphore(%arg12 : memref<!tpu.dma_semaphore, #tpu.memory_space<semaphore_mem>>)
      %dma_wait3A_109 = arith.constant 0 : i32
      %dma_wait3A_110 = arith.constant 0 : i32
      %dma_wait3A_111 = arith.constant 0 : i32
      %dma_wait3A_112 = tpu.memref_slice %arg9[%dma_wait3A_109, %dma_wait3A_110, %dma_wait3A_111] : memref<2x128x128xf32, #tpu.memory_space<vmem>> -> memref<1x128x128xf32, #tpu.memory_space<vmem>>
      %dma_wait3A_113 = tpu.memref_squeeze %dma_wait3A_112 : memref<1x128x128xf32, #tpu.memory_space<vmem>> -> memref<128x128xf32, #tpu.memory_space<vmem>>
      %dma_wait3A_114 = arith.constant 0 : i32
      %dma_wait3A_115 = tpu.memref_slice %arg6[%add3A_80, %dma_wait3A_114] : memref<327680x128xf32, #tpu.memory_space<hbm>> -> memref<128x128xf32, #tpu.memory_space<hbm>>
      %dma_wait3A_116 = arith.constant 0 : i32
      %dma_wait3A_117 = tpu.memref_slice %arg6[%add3A_80, %dma_wait3A_116] : memref<327680x128xf32, #tpu.memory_space<hbm>> -> memref<128x128xf32, #tpu.memory_space<hbm>>
      %dma_wait3A_118 = arith.constant 0 : i32
      %dma_wait3A_119 = arith.constant 0 : i32
      %dma_wait3A_120 = tpu.memref_slice %arg9[%dma_wait3A_109, %dma_wait3A_118, %dma_wait3A_119] : memref<2x128x128xf32, #tpu.memory_space<vmem>> -> memref<1x128x128xf32, #tpu.memory_space<vmem>>
      %dma_wait3A_121 = tpu.memref_squeeze %dma_wait3A_120 : memref<1x128x128xf32, #tpu.memory_space<vmem>> -> memref<128x128xf32, #tpu.memory_space<vmem>>
      tpu.wait_dma2 semaphore(%arg12 : memref<!tpu.dma_semaphore, #tpu.memory_space<semaphore_mem>>) src(%dma_wait3A_121 : memref<128x128xf32, #tpu.memory_space<vmem>>) dst(%dma_wait3A_117 : memref<128x128xf32, #tpu.memory_space<hbm>>)
      %dma_wait3A_122 = arith.constant 1 : i32
      %dma_wait3A_123 = arith.constant 0 : i32
      %dma_wait3A_124 = arith.constant 0 : i32
      %dma_wait3A_125 = tpu.memref_slice %arg9[%dma_wait3A_122, %dma_wait3A_123, %dma_wait3A_124] : memref<2x128x128xf32, #tpu.memory_space<vmem>> -> memref<1x128x128xf32, #tpu.memory_space<vmem>>
      %dma_wait3A_126 = tpu.memref_squeeze %dma_wait3A_125 : memref<1x128x128xf32, #tpu.memory_space<vmem>> -> memref<128x128xf32, #tpu.memory_space<vmem>>
      %dma_wait3A_127 = arith.constant 0 : i32
      %dma_wait3A_128 = tpu.memref_slice %arg6[%add3A_95, %dma_wait3A_127] : memref<327680x128xf32, #tpu.memory_space<hbm>> -> memref<128x128xf32, #tpu.memory_space<hbm>>
      %dma_wait3A_129 = arith.constant 0 : i32
      %dma_wait3A_130 = tpu.memref_slice %arg6[%add3A_95, %dma_wait3A_129] : memref<327680x128xf32, #tpu.memory_space<hbm>> -> memref<128x128xf32, #tpu.memory_space<hbm>>
      %dma_wait3A_131 = arith.constant 0 : i32
      %dma_wait3A_132 = arith.constant 0 : i32
      %dma_wait3A_133 = tpu.memref_slice %arg9[%dma_wait3A_122, %dma_wait3A_131, %dma_wait3A_132] : memref<2x128x128xf32, #tpu.memory_space<vmem>> -> memref<1x128x128xf32, #tpu.memory_space<vmem>>
      %dma_wait3A_134 = tpu.memref_squeeze %dma_wait3A_133 : memref<1x128x128xf32, #tpu.memory_space<vmem>> -> memref<128x128xf32, #tpu.memory_space<vmem>>
      tpu.wait_dma2 semaphore(%arg12 : memref<!tpu.dma_semaphore, #tpu.memory_space<semaphore_mem>>) src(%dma_wait3A_134 : memref<128x128xf32, #tpu.memory_space<vmem>>) dst(%dma_wait3A_130 : memref<128x128xf32, #tpu.memory_space<hbm>>)
    }
    %scan3A_11 = arith.constant 40 : i32
    %barrier3A_12 = arith.constant 0 : index
    tpu.barrier barrier_id(%barrier3A_12)
    "tpu.region"() ({
      %run_scoped3A = tpu.sem_alloc : memref<!tpu.dma_semaphore, #tpu.memory_space<semaphore_mem>>
      %dma_start3A = arith.constant 0 : i32
      %dma_start3A_25 = tpu.memref_slice %arg5[%mul3A_2, %dma_start3A] : memref<2560x128xi32, #tpu.memory_space<hbm>> -> memref<80x128xi32, #tpu.memory_space<hbm>>
      %dma_start3A_26 = arith.constant 0 : i32
      %dma_start3A_27 = tpu.memref_slice %arg5[%mul3A_2, %dma_start3A_26] : memref<2560x128xi32, #tpu.memory_space<hbm>> -> memref<80x128xi32, #tpu.memory_space<hbm>>
      tpu.enqueue_dma source(%dma_start3A_27 : memref<80x128xi32, #tpu.memory_space<hbm>>) target(%arg8 : memref<80x128xi32, #tpu.memory_space<vmem>>) target_semaphore(%run_scoped3A : memref<!tpu.dma_semaphore, #tpu.memory_space<semaphore_mem>>)
      %dma_wait3A = arith.constant 0 : i32
      %dma_wait3A_28 = tpu.memref_slice %arg5[%mul3A_2, %dma_wait3A] : memref<2560x128xi32, #tpu.memory_space<hbm>> -> memref<80x128xi32, #tpu.memory_space<hbm>>
      %dma_wait3A_29 = arith.constant 0 : i32
      %dma_wait3A_30 = tpu.memref_slice %arg5[%mul3A_2, %dma_wait3A_29] : memref<2560x128xi32, #tpu.memory_space<hbm>> -> memref<80x128xi32, #tpu.memory_space<hbm>>
      tpu.wait_dma2 semaphore(%run_scoped3A : memref<!tpu.dma_semaphore, #tpu.memory_space<semaphore_mem>>) src(%dma_wait3A_30 : memref<80x128xi32, #tpu.memory_space<hbm>>) dst(%arg8 : memref<80x128xi32, #tpu.memory_space<vmem>>)
      tpu.yield
    }) : () -> ()
    %scan3A_13 = arith.constant 0 : i32
    %scan3A_14 = arith.constant 5 : i32
    %scan3A_15 = arith.addi %scan3A_13, %scan3A_14 : i32
    %scan3A_16 = arith.constant 1 : i32
    scf.for %scan3A_25 = %scan3A_13 to %scan3A_15 step %scan3A_16  : i32 {
      %mul3A_26 = arith.constant 128 : i32
      %mul3A_27 = arith.muli %scan3A_25, %mul3A_26 : i32
      %add3A_28 = arith.constant 0 : i32
      %add3A_29 = arith.addi %add3A_28, %mul3A_27 : i32
      %mul3A_30 = arith.constant 640 : i32
      %mul3A_31 = arith.muli %arg1, %mul3A_30 : i32
      %add3A_32 = arith.addi %mul3A_31, %add3A_29 : i32
      %run_scoped3A = arith.constant 0 : i32
      "tpu.region"() ({
        %run_scoped3A_34 = tpu.sem_alloc : memref<!tpu.dma_semaphore, #tpu.memory_space<semaphore_mem>>
        %dma_start3A = arith.constant 0 : i32
        %dma_start3A_35 = arith.constant 0 : i32
        %dma_start3A_36 = tpu.memref_slice %arg9[%run_scoped3A, %dma_start3A, %dma_start3A_35] : memref<2x128x128xf32, #tpu.memory_space<vmem>> -> memref<1x128x128xf32, #tpu.memory_space<vmem>>
        %dma_start3A_37 = tpu.memref_squeeze %dma_start3A_36 : memref<1x128x128xf32, #tpu.memory_space<vmem>> -> memref<128x128xf32, #tpu.memory_space<vmem>>
        %dma_start3A_38 = arith.constant 0 : i32
        %dma_start3A_39 = tpu.memref_slice %arg3[%add3A_32, %dma_start3A_38] : memref<10240x128xf32, #tpu.memory_space<hbm>> -> memref<128x128xf32, #tpu.memory_space<hbm>>
        %dma_start3A_40 = arith.constant 0 : i32
        %dma_start3A_41 = arith.constant 0 : i32
        %dma_start3A_42 = tpu.memref_slice %arg9[%run_scoped3A, %dma_start3A_40, %dma_start3A_41] : memref<2x128x128xf32, #tpu.memory_space<vmem>> -> memref<1x128x128xf32, #tpu.memory_space<vmem>>
        %dma_start3A_43 = tpu.memref_squeeze %dma_start3A_42 : memref<1x128x128xf32, #tpu.memory_space<vmem>> -> memref<128x128xf32, #tpu.memory_space<vmem>>
        %dma_start3A_44 = arith.constant 0 : i32
        %dma_start3A_45 = tpu.memref_slice %arg3[%add3A_32, %dma_start3A_44] : memref<10240x128xf32, #tpu.memory_space<hbm>> -> memref<128x128xf32, #tpu.memory_space<hbm>>
        tpu.enqueue_dma source(%dma_start3A_45 : memref<128x128xf32, #tpu.memory_space<hbm>>) target(%dma_start3A_43 : memref<128x128xf32, #tpu.memory_space<vmem>>) target_semaphore(%run_scoped3A_34 : memref<!tpu.dma_semaphore, #tpu.memory_space<semaphore_mem>>)
        %dma_wait3A = arith.constant 0 : i32
        %dma_wait3A_46 = arith.constant 0 : i32
        %dma_wait3A_47 = tpu.memref_slice %arg9[%run_scoped3A, %dma_wait3A, %dma_wait3A_46] : memref<2x128x128xf32, #tpu.memory_space<vmem>> -> memref<1x128x128xf32, #tpu.memory_space<vmem>>
        %dma_wait3A_48 = tpu.memref_squeeze %dma_wait3A_47 : memref<1x128x128xf32, #tpu.memory_space<vmem>> -> memref<128x128xf32, #tpu.memory_space<vmem>>
        %dma_wait3A_49 = arith.constant 0 : i32
        %dma_wait3A_50 = tpu.memref_slice %arg3[%add3A_32, %dma_wait3A_49] : memref<10240x128xf32, #tpu.memory_space<hbm>> -> memref<128x128xf32, #tpu.memory_space<hbm>>
        %dma_wait3A_51 = arith.constant 0 : i32
        %dma_wait3A_52 = arith.constant 0 : i32
        %dma_wait3A_53 = tpu.memref_slice %arg9[%run_scoped3A, %dma_wait3A_51, %dma_wait3A_52] : memref<2x128x128xf32, #tpu.memory_space<vmem>> -> memref<1x128x128xf32, #tpu.memory_space<vmem>>
        %dma_wait3A_54 = tpu.memref_squeeze %dma_wait3A_53 : memref<1x128x128xf32, #tpu.memory_space<vmem>> -> memref<128x128xf32, #tpu.memory_space<vmem>>
        %dma_wait3A_55 = arith.constant 0 : i32
        %dma_wait3A_56 = tpu.memref_slice %arg3[%add3A_32, %dma_wait3A_55] : memref<10240x128xf32, #tpu.memory_space<hbm>> -> memref<128x128xf32, #tpu.memory_space<hbm>>
        tpu.wait_dma2 semaphore(%run_scoped3A_34 : memref<!tpu.dma_semaphore, #tpu.memory_space<semaphore_mem>>) src(%dma_wait3A_56 : memref<128x128xf32, #tpu.memory_space<hbm>>) dst(%dma_wait3A_54 : memref<128x128xf32, #tpu.memory_space<vmem>>)
        tpu.yield
      }) : () -> ()
      %run_scoped3A_33 = arith.constant 0 : i32
      "tpu.region"() ({
        %run_scoped3A_34 = tpu.sem_alloc : memref<!tpu.dma_semaphore, #tpu.memory_space<semaphore_mem>>
        %dma_start3A = arith.constant 0 : i32
        %dma_start3A_35 = arith.constant 0 : i32
        %dma_start3A_36 = tpu.memref_slice %arg9[%run_scoped3A_33, %dma_start3A, %dma_start3A_35] : memref<2x128x128xf32, #tpu.memory_space<vmem>> -> memref<1x128x128xf32, #tpu.memory_space<vmem>>
        %dma_start3A_37 = tpu.memref_squeeze %dma_start3A_36 : memref<1x128x128xf32, #tpu.memory_space<vmem>> -> memref<128x128xf32, #tpu.memory_space<vmem>>
        %dma_start3A_38 = arith.constant 0 : i32
        %dma_start3A_39 = tpu.memref_slice %arg10[%add3A_32, %dma_start3A_38] : memref<10240x128xf32, #tpu.memory_space<vmem_shared>> -> memref<128x128xf32, #tpu.memory_space<vmem_shared>>
        %dma_start3A_40 = arith.constant 0 : i32
        %dma_start3A_41 = tpu.memref_slice %arg10[%add3A_32, %dma_start3A_40] : memref<10240x128xf32, #tpu.memory_space<vmem_shared>> -> memref<128x128xf32, #tpu.memory_space<vmem_shared>>
        %dma_start3A_42 = arith.constant 0 : i32
        %dma_start3A_43 = arith.constant 0 : i32
        %dma_start3A_44 = tpu.memref_slice %arg9[%run_scoped3A_33, %dma_start3A_42, %dma_start3A_43] : memref<2x128x128xf32, #tpu.memory_space<vmem>> -> memref<1x128x128xf32, #tpu.memory_space<vmem>>
        %dma_start3A_45 = tpu.memref_squeeze %dma_start3A_44 : memref<1x128x128xf32, #tpu.memory_space<vmem>> -> memref<128x128xf32, #tpu.memory_space<vmem>>
        tpu.enqueue_dma source(%dma_start3A_45 : memref<128x128xf32, #tpu.memory_space<vmem>>) target(%dma_start3A_41 : memref<128x128xf32, #tpu.memory_space<vmem_shared>>) target_semaphore(%run_scoped3A_34 : memref<!tpu.dma_semaphore, #tpu.memory_space<semaphore_mem>>)
        %dma_wait3A = arith.constant 0 : i32
        %dma_wait3A_46 = arith.constant 0 : i32
        %dma_wait3A_47 = tpu.memref_slice %arg9[%run_scoped3A_33, %dma_wait3A, %dma_wait3A_46] : memref<2x128x128xf32, #tpu.memory_space<vmem>> -> memref<1x128x128xf32, #tpu.memory_space<vmem>>
        %dma_wait3A_48 = tpu.memref_squeeze %dma_wait3A_47 : memref<1x128x128xf32, #tpu.memory_space<vmem>> -> memref<128x128xf32, #tpu.memory_space<vmem>>
        %dma_wait3A_49 = arith.constant 0 : i32
        %dma_wait3A_50 = tpu.memref_slice %arg10[%add3A_32, %dma_wait3A_49] : memref<10240x128xf32, #tpu.memory_space<vmem_shared>> -> memref<128x128xf32, #tpu.memory_space<vmem_shared>>
        %dma_wait3A_51 = arith.constant 0 : i32
        %dma_wait3A_52 = tpu.memref_slice %arg10[%add3A_32, %dma_wait3A_51] : memref<10240x128xf32, #tpu.memory_space<vmem_shared>> -> memref<128x128xf32, #tpu.memory_space<vmem_shared>>
        %dma_wait3A_53 = arith.constant 0 : i32
        %dma_wait3A_54 = arith.constant 0 : i32
        %dma_wait3A_55 = tpu.memref_slice %arg9[%run_scoped3A_33, %dma_wait3A_53, %dma_wait3A_54] : memref<2x128x128xf32, #tpu.memory_space<vmem>> -> memref<1x128x128xf32, #tpu.memory_space<vmem>>
        %dma_wait3A_56 = tpu.memref_squeeze %dma_wait3A_55 : memref<1x128x128xf32, #tpu.memory_space<vmem>> -> memref<128x128xf32, #tpu.memory_space<vmem>>
        tpu.wait_dma2 semaphore(%run_scoped3A_34 : memref<!tpu.dma_semaphore, #tpu.memory_space<semaphore_mem>>) src(%dma_wait3A_56 : memref<128x128xf32, #tpu.memory_space<vmem>>) dst(%dma_wait3A_52 : memref<128x128xf32, #tpu.memory_space<vmem_shared>>)
        tpu.yield
      }) : () -> ()
    }
    %scan3A_17 = arith.constant 5 : i32
    %barrier3A_18 = arith.constant 0 : index
    tpu.barrier barrier_id(%barrier3A_18)
    %scan3A_19 = arith.constant 0 : i32
    %scan3A_20 = arith.constant 40 : i32
    %scan3A_21 = arith.addi %scan3A_19, %scan3A_20 : i32
    %scan3A_22 = arith.constant 1 : i32
    scf.for %scan3A_25 = %scan3A_19 to %scan3A_21 step %scan3A_22  : i32 {
      %mul3A_26 = arith.constant 2 : i32
      %mul3A_27 = arith.muli %scan3A_25, %mul3A_26 : i32
      %add3A_28 = arith.constant 0 : i32
      %add3A_29 = arith.addi %add3A_28, %mul3A_27 : i32
      %add3A_30 = arith.constant 0 : i32
      %add3A_31 = arith.addi %add3A_29, %add3A_30 : i32
      %dma_start3A = arith.constant 0 : i32
      %dma_start3A_32 = arith.constant 0 : i32
      %dma_start3A_33 = arith.constant 0 : i32
      %dma_start3A_34 = tpu.memref_slice %arg9[%dma_start3A, %dma_start3A_32, %dma_start3A_33] : memref<2x128x128xf32, #tpu.memory_space<vmem>> -> memref<1x128x128xf32, #tpu.memory_space<vmem>>
      %dma_start3A_35 = tpu.memref_squeeze %dma_start3A_34 : memref<1x128x128xf32, #tpu.memory_space<vmem>> -> memref<128x128xf32, #tpu.memory_space<vmem>>
      %dma_start3A_36 = arith.constant 0 : i32
      %dma_start3A_37 = tpu.memref_slice %arg8[%add3A_31, %dma_start3A_36] : memref<80x128xi32, #tpu.memory_space<vmem>> -> memref<1x128xi32, #tpu.memory_space<vmem>>
      %dma_start3A_38 = tpu.memref_squeeze %dma_start3A_37 : memref<1x128xi32, #tpu.memory_space<vmem>> -> memref<128xi32, #tpu.memory_space<vmem>>
      %dma_start3A_39 = arith.constant 0 : i32
      %dma_start3A_40 = arith.constant 0 : i32
      %dma_start3A_41 = tpu.memref_slice %arg10[%dma_start3A_39, %dma_start3A_40] : memref<10240x128xf32, #tpu.memory_space<vmem_shared>> -> memref<10240x128xf32, #tpu.memory_space<vmem_shared>>
      tpu.enqueue_indirect_dma source(%dma_start3A_41 : memref<10240x128xf32, #tpu.memory_space<vmem_shared>>) target(%dma_start3A_35 : memref<128x128xf32, #tpu.memory_space<vmem>>) offsets(%dma_start3A_38 : memref<128xi32, #tpu.memory_space<vmem>>) semaphore(%arg11 : memref<!tpu.dma_semaphore, #tpu.memory_space<semaphore_mem>>)
      %add3A_42 = arith.constant 1 : i32
      %add3A_43 = arith.addi %add3A_29, %add3A_42 : i32
      %dma_start3A_44 = arith.constant 1 : i32
      %dma_start3A_45 = arith.constant 0 : i32
      %dma_start3A_46 = arith.constant 0 : i32
      %dma_start3A_47 = tpu.memref_slice %arg9[%dma_start3A_44, %dma_start3A_45, %dma_start3A_46] : memref<2x128x128xf32, #tpu.memory_space<vmem>> -> memref<1x128x128xf32, #tpu.memory_space<vmem>>
      %dma_start3A_48 = tpu.memref_squeeze %dma_start3A_47 : memref<1x128x128xf32, #tpu.memory_space<vmem>> -> memref<128x128xf32, #tpu.memory_space<vmem>>
      %dma_start3A_49 = arith.constant 0 : i32
      %dma_start3A_50 = tpu.memref_slice %arg8[%add3A_43, %dma_start3A_49] : memref<80x128xi32, #tpu.memory_space<vmem>> -> memref<1x128xi32, #tpu.memory_space<vmem>>
      %dma_start3A_51 = tpu.memref_squeeze %dma_start3A_50 : memref<1x128xi32, #tpu.memory_space<vmem>> -> memref<128xi32, #tpu.memory_space<vmem>>
      %dma_start3A_52 = arith.constant 0 : i32
      %dma_start3A_53 = arith.constant 0 : i32
      %dma_start3A_54 = tpu.memref_slice %arg10[%dma_start3A_52, %dma_start3A_53] : memref<10240x128xf32, #tpu.memory_space<vmem_shared>> -> memref<10240x128xf32, #tpu.memory_space<vmem_shared>>
      tpu.enqueue_indirect_dma source(%dma_start3A_54 : memref<10240x128xf32, #tpu.memory_space<vmem_shared>>) target(%dma_start3A_48 : memref<128x128xf32, #tpu.memory_space<vmem>>) offsets(%dma_start3A_51 : memref<128xi32, #tpu.memory_space<vmem>>) semaphore(%arg11 : memref<!tpu.dma_semaphore, #tpu.memory_space<semaphore_mem>>)
      %dma_wait3A = arith.constant 0 : i32
      %dma_wait3A_55 = arith.constant 0 : i32
      %dma_wait3A_56 = arith.constant 0 : i32
      %dma_wait3A_57 = tpu.memref_slice %arg9[%dma_wait3A, %dma_wait3A_55, %dma_wait3A_56] : memref<2x128x128xf32, #tpu.memory_space<vmem>> -> memref<1x128x128xf32, #tpu.memory_space<vmem>>
      %dma_wait3A_58 = tpu.memref_squeeze %dma_wait3A_57 : memref<1x128x128xf32, #tpu.memory_space<vmem>> -> memref<128x128xf32, #tpu.memory_space<vmem>>
      %dma_wait3A_59 = arith.constant 0 : i32
      %dma_wait3A_60 = tpu.memref_slice %arg8[%add3A_31, %dma_wait3A_59] : memref<80x128xi32, #tpu.memory_space<vmem>> -> memref<1x128xi32, #tpu.memory_space<vmem>>
      %dma_wait3A_61 = tpu.memref_squeeze %dma_wait3A_60 : memref<1x128xi32, #tpu.memory_space<vmem>> -> memref<128xi32, #tpu.memory_space<vmem>>
      %dma_wait3A_62 = arith.constant 0 : i32
      %dma_wait3A_63 = arith.constant 0 : i32
      %dma_wait3A_64 = tpu.memref_slice %arg10[%dma_wait3A_62, %dma_wait3A_63] : memref<10240x128xf32, #tpu.memory_space<vmem_shared>> -> memref<10240x128xf32, #tpu.memory_space<vmem_shared>>
      tpu.wait_indirect_dma semaphore(%arg11 : memref<!tpu.dma_semaphore, #tpu.memory_space<semaphore_mem>>) src(%dma_wait3A_64 : memref<10240x128xf32, #tpu.memory_space<vmem_shared>>) dst(%dma_wait3A_58 : memref<128x128xf32, #tpu.memory_space<vmem>>)
      %dma_wait3A_65 = arith.constant 1 : i32
      %dma_wait3A_66 = arith.constant 0 : i32
      %dma_wait3A_67 = arith.constant 0 : i32
      %dma_wait3A_68 = tpu.memref_slice %arg9[%dma_wait3A_65, %dma_wait3A_66, %dma_wait3A_67] : memref<2x128x128xf32, #tpu.memory_space<vmem>> -> memref<1x128x128xf32, #tpu.memory_space<vmem>>
      %dma_wait3A_69 = tpu.memref_squeeze %dma_wait3A_68 : memref<1x128x128xf32, #tpu.memory_space<vmem>> -> memref<128x128xf32, #tpu.memory_space<vmem>>
      %dma_wait3A_70 = arith.constant 0 : i32
      %dma_wait3A_71 = tpu.memref_slice %arg8[%add3A_43, %dma_wait3A_70] : memref<80x128xi32, #tpu.memory_space<vmem>> -> memref<1x128xi32, #tpu.memory_space<vmem>>
      %dma_wait3A_72 = tpu.memref_squeeze %dma_wait3A_71 : memref<1x128xi32, #tpu.memory_space<vmem>> -> memref<128xi32, #tpu.memory_space<vmem>>
      %dma_wait3A_73 = arith.constant 0 : i32
      %dma_wait3A_74 = arith.constant 0 : i32
      %dma_wait3A_75 = tpu.memref_slice %arg10[%dma_wait3A_73, %dma_wait3A_74] : memref<10240x128xf32, #tpu.memory_space<vmem_shared>> -> memref<10240x128xf32, #tpu.memory_space<vmem_shared>>
      tpu.wait_indirect_dma semaphore(%arg11 : memref<!tpu.dma_semaphore, #tpu.memory_space<semaphore_mem>>) src(%dma_wait3A_75 : memref<10240x128xf32, #tpu.memory_space<vmem_shared>>) dst(%dma_wait3A_69 : memref<128x128xf32, #tpu.memory_space<vmem>>)
      %add3A_76 = arith.addi %mul3A_2, %add3A_29 : i32
      %mul3A_77 = arith.constant 128 : i32
      %mul3A_78 = arith.muli %add3A_76, %mul3A_77 : i32
      %add3A_79 = arith.constant 0 : i32
      %add3A_80 = arith.addi %mul3A_78, %add3A_79 : i32
      %dma_start3A_81 = arith.constant 0 : i32
      %dma_start3A_82 = arith.constant 0 : i32
      %dma_start3A_83 = arith.constant 0 : i32
      %dma_start3A_84 = tpu.memref_slice %arg9[%dma_start3A_81, %dma_start3A_82, %dma_start3A_83] : memref<2x128x128xf32, #tpu.memory_space<vmem>> -> memref<1x128x128xf32, #tpu.memory_space<vmem>>
      %dma_start3A_85 = tpu.memref_squeeze %dma_start3A_84 : memref<1x128x128xf32, #tpu.memory_space<vmem>> -> memref<128x128xf32, #tpu.memory_space<vmem>>
      %dma_start3A_86 = arith.constant 0 : i32
      %dma_start3A_87 = tpu.memref_slice %arg7[%add3A_80, %dma_start3A_86] : memref<327680x128xf32, #tpu.memory_space<hbm>> -> memref<128x128xf32, #tpu.memory_space<hbm>>
      %dma_start3A_88 = arith.constant 0 : i32
      %dma_start3A_89 = tpu.memref_slice %arg7[%add3A_80, %dma_start3A_88] : memref<327680x128xf32, #tpu.memory_space<hbm>> -> memref<128x128xf32, #tpu.memory_space<hbm>>
      %dma_start3A_90 = arith.constant 0 : i32
      %dma_start3A_91 = arith.constant 0 : i32
      %dma_start3A_92 = tpu.memref_slice %arg9[%dma_start3A_81, %dma_start3A_90, %dma_start3A_91] : memref<2x128x128xf32, #tpu.memory_space<vmem>> -> memref<1x128x128xf32, #tpu.memory_space<vmem>>
      %dma_start3A_93 = tpu.memref_squeeze %dma_start3A_92 : memref<1x128x128xf32, #tpu.memory_space<vmem>> -> memref<128x128xf32, #tpu.memory_space<vmem>>
      tpu.enqueue_dma source(%dma_start3A_93 : memref<128x128xf32, #tpu.memory_space<vmem>>) target(%dma_start3A_89 : memref<128x128xf32, #tpu.memory_space<hbm>>) target_semaphore(%arg12 : memref<!tpu.dma_semaphore, #tpu.memory_space<semaphore_mem>>)
      %add3A_94 = arith.constant 128 : i32
      %add3A_95 = arith.addi %mul3A_78, %add3A_94 : i32
      %dma_start3A_96 = arith.constant 1 : i32
      %dma_start3A_97 = arith.constant 0 : i32
      %dma_start3A_98 = arith.constant 0 : i32
      %dma_start3A_99 = tpu.memref_slice %arg9[%dma_start3A_96, %dma_start3A_97, %dma_start3A_98] : memref<2x128x128xf32, #tpu.memory_space<vmem>> -> memref<1x128x128xf32, #tpu.memory_space<vmem>>
      %dma_start3A_100 = tpu.memref_squeeze %dma_start3A_99 : memref<1x128x128xf32, #tpu.memory_space<vmem>> -> memref<128x128xf32, #tpu.memory_space<vmem>>
      %dma_start3A_101 = arith.constant 0 : i32
      %dma_start3A_102 = tpu.memref_slice %arg7[%add3A_95, %dma_start3A_101] : memref<327680x128xf32, #tpu.memory_space<hbm>> -> memref<128x128xf32, #tpu.memory_space<hbm>>
      %dma_start3A_103 = arith.constant 0 : i32
      %dma_start3A_104 = tpu.memref_slice %arg7[%add3A_95, %dma_start3A_103] : memref<327680x128xf32, #tpu.memory_space<hbm>> -> memref<128x128xf32, #tpu.memory_space<hbm>>
      %dma_start3A_105 = arith.constant 0 : i32
      %dma_start3A_106 = arith.constant 0 : i32
      %dma_start3A_107 = tpu.memref_slice %arg9[%dma_start3A_96, %dma_start3A_105, %dma_start3A_106] : memref<2x128x128xf32, #tpu.memory_space<vmem>> -> memref<1x128x128xf32, #tpu.memory_space<vmem>>
      %dma_start3A_108 = tpu.memref_squeeze %dma_start3A_107 : memref<1x128x128xf32, #tpu.memory_space<vmem>> -> memref<128x128xf32, #tpu.memory_space<vmem>>
      tpu.enqueue_dma source(%dma_start3A_108 : memref<128x128xf32, #tpu.memory_space<vmem>>) target(%dma_start3A_104 : memref<128x128xf32, #tpu.memory_space<hbm>>) target_semaphore(%arg12 : memref<!tpu.dma_semaphore, #tpu.memory_space<semaphore_mem>>)
      %dma_wait3A_109 = arith.constant 0 : i32
      %dma_wait3A_110 = arith.constant 0 : i32
      %dma_wait3A_111 = arith.constant 0 : i32
      %dma_wait3A_112 = tpu.memref_slice %arg9[%dma_wait3A_109, %dma_wait3A_110, %dma_wait3A_111] : memref<2x128x128xf32, #tpu.memory_space<vmem>> -> memref<1x128x128xf32, #tpu.memory_space<vmem>>
      %dma_wait3A_113 = tpu.memref_squeeze %dma_wait3A_112 : memref<1x128x128xf32, #tpu.memory_space<vmem>> -> memref<128x128xf32, #tpu.memory_space<vmem>>
      %dma_wait3A_114 = arith.constant 0 : i32
      %dma_wait3A_115 = tpu.memref_slice %arg7[%add3A_80, %dma_wait3A_114] : memref<327680x128xf32, #tpu.memory_space<hbm>> -> memref<128x128xf32, #tpu.memory_space<hbm>>
      %dma_wait3A_116 = arith.constant 0 : i32
      %dma_wait3A_117 = tpu.memref_slice %arg7[%add3A_80, %dma_wait3A_116] : memref<327680x128xf32, #tpu.memory_space<hbm>> -> memref<128x128xf32, #tpu.memory_space<hbm>>
      %dma_wait3A_118 = arith.constant 0 : i32
      %dma_wait3A_119 = arith.constant 0 : i32
      %dma_wait3A_120 = tpu.memref_slice %arg9[%dma_wait3A_109, %dma_wait3A_118, %dma_wait3A_119] : memref<2x128x128xf32, #tpu.memory_space<vmem>> -> memref<1x128x128xf32, #tpu.memory_space<vmem>>
      %dma_wait3A_121 = tpu.memref_squeeze %dma_wait3A_120 : memref<1x128x128xf32, #tpu.memory_space<vmem>> -> memref<128x128xf32, #tpu.memory_space<vmem>>
      tpu.wait_dma2 semaphore(%arg12 : memref<!tpu.dma_semaphore, #tpu.memory_space<semaphore_mem>>) src(%dma_wait3A_121 : memref<128x128xf32, #tpu.memory_space<vmem>>) dst(%dma_wait3A_117 : memref<128x128xf32, #tpu.memory_space<hbm>>)
      %dma_wait3A_122 = arith.constant 1 : i32
      %dma_wait3A_123 = arith.constant 0 : i32
      %dma_wait3A_124 = arith.constant 0 : i32
      %dma_wait3A_125 = tpu.memref_slice %arg9[%dma_wait3A_122, %dma_wait3A_123, %dma_wait3A_124] : memref<2x128x128xf32, #tpu.memory_space<vmem>> -> memref<1x128x128xf32, #tpu.memory_space<vmem>>
      %dma_wait3A_126 = tpu.memref_squeeze %dma_wait3A_125 : memref<1x128x128xf32, #tpu.memory_space<vmem>> -> memref<128x128xf32, #tpu.memory_space<vmem>>
      %dma_wait3A_127 = arith.constant 0 : i32
      %dma_wait3A_128 = tpu.memref_slice %arg7[%add3A_95, %dma_wait3A_127] : memref<327680x128xf32, #tpu.memory_space<hbm>> -> memref<128x128xf32, #tpu.memory_space<hbm>>
      %dma_wait3A_129 = arith.constant 0 : i32
      %dma_wait3A_130 = tpu.memref_slice %arg7[%add3A_95, %dma_wait3A_129] : memref<327680x128xf32, #tpu.memory_space<hbm>> -> memref<128x128xf32, #tpu.memory_space<hbm>>
      %dma_wait3A_131 = arith.constant 0 : i32
      %dma_wait3A_132 = arith.constant 0 : i32
      %dma_wait3A_133 = tpu.memref_slice %arg9[%dma_wait3A_122, %dma_wait3A_131, %dma_wait3A_132] : memref<2x128x128xf32, #tpu.memory_space<vmem>> -> memref<1x128x128xf32, #tpu.memory_space<vmem>>
      %dma_wait3A_134 = tpu.memref_squeeze %dma_wait3A_133 : memref<1x128x128xf32, #tpu.memory_space<vmem>> -> memref<128x128xf32, #tpu.memory_space<vmem>>
      tpu.wait_dma2 semaphore(%arg12 : memref<!tpu.dma_semaphore, #tpu.memory_space<semaphore_mem>>) src(%dma_wait3A_134 : memref<128x128xf32, #tpu.memory_space<vmem>>) dst(%dma_wait3A_130 : memref<128x128xf32, #tpu.memory_space<hbm>>)
    }
    %scan3A_23 = arith.constant 40 : i32
    %barrier3A_24 = arith.constant 0 : index
    tpu.barrier barrier_id(%barrier3A_24)
    return
  }
}

module attributes {stable_mosaic.version = 14 : i64} {
  func.func @_tc_prep_body(%arg0: i32, %arg1: memref<10000x128xf32, #tpu.memory_space<vmem>>, %arg2: memref<10000x128xf32, #tpu.memory_space<vmem>>, %arg3: memref<128x128xf32, #tpu.memory_space<vmem>>, %arg4: memref<128x128xf32, #tpu.memory_space<vmem>>, %arg5: memref<128x128xf32, #tpu.memory_space<vmem>>, %arg6: memref<1x128xf32, #tpu.memory_space<vmem>>, %arg7: memref<2560x128xf32, #tpu.memory_space<vmem>>, %arg8: memref<10000x128xf32, #tpu.memory_space<vmem>>, %arg9: memref<10000x128xf32, #tpu.memory_space<vmem>>, %arg10: memref<1x10000xf32, #tpu.memory_space<vmem>>, %arg11: memref<1x10000xf32, #tpu.memory_space<vmem>>, %arg12: memref<1x2560xf32, #tpu.memory_space<vmem>>) attributes {dimension_semantics = [#tpu.dimension_semantics<arbitrary>], iteration_bounds = array<i64: 125>, scalar_prefetch = 0 : i64, scratch_operands = 0 : i64, tpu.core_type = #tpu.core_type<tc>, window_params = [{pipeline_mode = #tpu.pipeline_mode<synchronous>, transform_indices = @transform_0, window_bounds = array<i64: 10000, 128>}, {pipeline_mode = #tpu.pipeline_mode<synchronous>, transform_indices = @transform_1, window_bounds = array<i64: 10000, 128>}, {pipeline_mode = #tpu.pipeline_mode<synchronous>, transform_indices = @transform_2, window_bounds = array<i64: 128, 128>}, {pipeline_mode = #tpu.pipeline_mode<synchronous>, transform_indices = @transform_3, window_bounds = array<i64: 128, 128>}, {pipeline_mode = #tpu.pipeline_mode<synchronous>, transform_indices = @transform_4, window_bounds = array<i64: 128, 128>}, {pipeline_mode = #tpu.pipeline_mode<synchronous>, transform_indices = @transform_5, window_bounds = array<i64: 1, 128>}, {transform_indices = @transform_6, window_bounds = array<i64: 2560, 128>}, {pipeline_mode = #tpu.pipeline_mode<synchronous>, transform_indices = @transform_7, window_bounds = array<i64: 10000, 128>}, {pipeline_mode = #tpu.pipeline_mode<synchronous>, transform_indices = @transform_8, window_bounds = array<i64: 10000, 128>}, {pipeline_mode = #tpu.pipeline_mode<synchronous>, transform_indices = @transform_9, window_bounds = array<i64: 1, 10000>}, {pipeline_mode = #tpu.pipeline_mode<synchronous>, transform_indices = @transform_10, window_bounds = array<i64: 1, 10000>}, {transform_indices = @transform_11, window_bounds = array<i64: 1, 2560>}]} {
    %eq3A = arith.constant 0 : i32
    %eq3A_0 = arith.cmpi eq, %arg0, %eq3A : i32
    %convert_element_type3A = arith.extui %eq3A_0 : i1 to i32
    %cond3A = arith.constant 0 : i32
    %cond3A_1 = arith.cmpi ne, %convert_element_type3A, %cond3A : i32
    scf.if %cond3A_1 {
      %get3A_15 = arith.constant 0 : index
      %get3A_16 = arith.constant 0 : index
      %get3A_17 = vector.load %arg1[%get3A_15, %get3A_16] : memref<10000x128xf32, #tpu.memory_space<vmem>>, vector<10000x128xf32>
      %get3A_18 = arith.constant 0 : index
      %get3A_19 = arith.constant 0 : index
      %get3A_20 = vector.load %arg3[%get3A_18, %get3A_19] : memref<128x128xf32, #tpu.memory_space<vmem>>, vector<128x128xf32>
      %dot_general3A_21 = arith.constant dense<0.000000e+00> : vector<10000x128xf32>
      %dot_general3A_22 = tpu.matmul %get3A_17, %get3A_20, %dot_general3A_21 {dimension_numbers = #tpu.dot_dimension_numbers<[1], [1], [0], [0], [0, 0, 1, 0], [], []>, precision = #tpu.contract_precision<fp32>, transpose_lhs_hint = false} : vector<10000x128xf32>, vector<128x128xf32>, vector<10000x128xf32> -> vector<10000x128xf32>
      %get3A_23 = arith.constant 0 : index
      %get3A_24 = arith.constant 0 : index
      %get3A_25 = vector.load %arg2[%get3A_23, %get3A_24] : memref<10000x128xf32, #tpu.memory_space<vmem>>, vector<10000x128xf32>
      %get3A_26 = arith.constant 0 : index
      %get3A_27 = arith.constant 0 : index
      %get3A_28 = vector.load %arg4[%get3A_26, %get3A_27] : memref<128x128xf32, #tpu.memory_space<vmem>>, vector<128x128xf32>
      %dot_general3A_29 = arith.constant dense<0.000000e+00> : vector<10000x128xf32>
      %dot_general3A_30 = tpu.matmul %get3A_25, %get3A_28, %dot_general3A_29 {dimension_numbers = #tpu.dot_dimension_numbers<[1], [1], [0], [0], [0, 0, 1, 0], [], []>, precision = #tpu.contract_precision<fp32>, transpose_lhs_hint = false} : vector<10000x128xf32>, vector<128x128xf32>, vector<10000x128xf32> -> vector<10000x128xf32>
      %swap3A_31 = arith.constant 0 : index
      %swap3A_32 = arith.constant 0 : index
      %swap3A_33 = vector.load %arg8[%swap3A_31, %swap3A_32] : memref<10000x128xf32, #tpu.memory_space<vmem>>, vector<10000x128xf32>
      tpu.vector_store %arg8[%swap3A_31, %swap3A_32], %dot_general3A_22 {strides = array<i32>} : memref<10000x128xf32, #tpu.memory_space<vmem>>, vector<10000x128xf32>,
      %swap3A_34 = arith.constant 0 : index
      %swap3A_35 = arith.constant 0 : index
      %swap3A_36 = vector.load %arg9[%swap3A_34, %swap3A_35] : memref<10000x128xf32, #tpu.memory_space<vmem>>, vector<10000x128xf32>
      tpu.vector_store %arg9[%swap3A_34, %swap3A_35], %dot_general3A_30 {strides = array<i32>} : memref<10000x128xf32, #tpu.memory_space<vmem>>, vector<10000x128xf32>,
      %get3A_37 = arith.constant 0 : index
      %get3A_38 = arith.constant 0 : index
      %get3A_39 = vector.load %arg6[%get3A_37, %get3A_38] : memref<1x128xf32, #tpu.memory_space<vmem>>, vector<1x128xf32>
      %dot_general3A_40 = arith.constant dense<0.000000e+00> : vector<1x10000xf32>
      %dot_general3A_41 = tpu.matmul %get3A_39, %dot_general3A_22, %dot_general3A_40 {dimension_numbers = #tpu.dot_dimension_numbers<[1], [1], [0], [0], [0, 0, 1, 0], [], []>, precision = #tpu.contract_precision<fp32>, transpose_lhs_hint = false} : vector<1x128xf32>, vector<10000x128xf32>, vector<1x10000xf32> -> vector<1x10000xf32>
      %swap3A_42 = arith.constant 0 : index
      %swap3A_43 = arith.constant 0 : index
      %swap3A_44 = vector.load %arg10[%swap3A_42, %swap3A_43] : memref<1x10000xf32, #tpu.memory_space<vmem>>, vector<1x10000xf32>
      tpu.vector_store %arg10[%swap3A_42, %swap3A_43], %dot_general3A_41 {strides = array<i32>} : memref<1x10000xf32, #tpu.memory_space<vmem>>, vector<1x10000xf32>,
      %get3A_45 = arith.constant 0 : index
      %get3A_46 = arith.constant 0 : index
      %get3A_47 = vector.load %arg6[%get3A_45, %get3A_46] : memref<1x128xf32, #tpu.memory_space<vmem>>, vector<1x128xf32>
      %dot_general3A_48 = arith.constant dense<0.000000e+00> : vector<1x10000xf32>
      %dot_general3A_49 = tpu.matmul %get3A_47, %dot_general3A_30, %dot_general3A_48 {dimension_numbers = #tpu.dot_dimension_numbers<[1], [1], [0], [0], [0, 0, 1, 0], [], []>, precision = #tpu.contract_precision<fp32>, transpose_lhs_hint = false} : vector<1x128xf32>, vector<10000x128xf32>, vector<1x10000xf32> -> vector<1x10000xf32>
      %swap3A_50 = arith.constant 0 : index
      %swap3A_51 = arith.constant 0 : index
      %swap3A_52 = vector.load %arg11[%swap3A_50, %swap3A_51] : memref<1x10000xf32, #tpu.memory_space<vmem>>, vector<1x10000xf32>
      tpu.vector_store %arg11[%swap3A_50, %swap3A_51], %dot_general3A_49 {strides = array<i32>} : memref<1x10000xf32, #tpu.memory_space<vmem>>, vector<1x10000xf32>,
    } else {
    }
    %get3A = arith.constant 0 : index
    %get3A_2 = arith.constant 0 : index
    %get3A_3 = vector.load %arg6[%get3A, %get3A_2] : memref<1x128xf32, #tpu.memory_space<vmem>>, vector<1x128xf32>
    %get3A_4 = arith.constant 0 : index
    %get3A_5 = arith.constant 0 : index
    %get3A_6 = vector.load %arg5[%get3A_4, %get3A_5] : memref<128x128xf32, #tpu.memory_space<vmem>>, vector<128x128xf32>
    %dot_general3A = arith.constant dense<0.000000e+00> : vector<1x128xf32>
    %dot_general3A_7 = tpu.matmul %get3A_3, %get3A_6, %dot_general3A {dimension_numbers = #tpu.dot_dimension_numbers<[1], [0], [0], [1], [0, 0, 1, 1], [], []>, transpose_lhs_hint = false} : vector<1x128xf32>, vector<128x128xf32>, vector<1x128xf32> -> vector<1x128xf32>
    %get3A_8 = arith.constant 0 : index
    %get3A_9 = arith.constant 0 : index
    %get3A_10 = vector.load %arg7[%get3A_8, %get3A_9] : memref<2560x128xf32, #tpu.memory_space<vmem>>, vector<2560x128xf32>
    %dot_general3A_11 = arith.constant dense<0.000000e+00> : vector<1x2560xf32>
    %dot_general3A_12 = tpu.matmul %dot_general3A_7, %get3A_10, %dot_general3A_11 {dimension_numbers = #tpu.dot_dimension_numbers<[1], [1], [0], [0], [0, 0, 1, 0], [], []>, transpose_lhs_hint = false} : vector<1x128xf32>, vector<2560x128xf32>, vector<1x2560xf32> -> vector<1x2560xf32>
    %swap3A = arith.constant 0 : index
    %swap3A_13 = arith.constant 0 : index
    %swap3A_14 = vector.load %arg12[%swap3A, %swap3A_13] : memref<1x2560xf32, #tpu.memory_space<vmem>>, vector<1x2560xf32>
    tpu.vector_store %arg12[%swap3A, %swap3A_13], %dot_general3A_12 {strides = array<i32>} : memref<1x2560xf32, #tpu.memory_space<vmem>>, vector<1x2560xf32>,
    return
  }
  func.func @transform_0(%arg0: i32) -> (i32, i32) {
    %c0_i32 = arith.constant 0 : i32
    %c0_i32_0 = arith.constant 0 : i32
    %c0_i32_1 = arith.constant 0 : i32
    return %c0_i32, %c0_i32_0 : i32, i32
  }
  func.func @transform_1(%arg0: i32) -> (i32, i32) {
    %c0_i32 = arith.constant 0 : i32
    %c0_i32_0 = arith.constant 0 : i32
    %c0_i32_1 = arith.constant 0 : i32
    return %c0_i32, %c0_i32_0 : i32, i32
  }
  func.func @transform_2(%arg0: i32) -> (i32, i32) {
    %c0_i32 = arith.constant 0 : i32
    %c0_i32_0 = arith.constant 0 : i32
    %c0_i32_1 = arith.constant 0 : i32
    return %c0_i32, %c0_i32_0 : i32, i32
  }
  func.func @transform_3(%arg0: i32) -> (i32, i32) {
    %c0_i32 = arith.constant 0 : i32
    %c0_i32_0 = arith.constant 0 : i32
    %c0_i32_1 = arith.constant 0 : i32
    return %c0_i32, %c0_i32_0 : i32, i32
  }
  func.func @transform_4(%arg0: i32) -> (i32, i32) {
    %c0_i32 = arith.constant 0 : i32
    %c0_i32_0 = arith.constant 0 : i32
    %c0_i32_1 = arith.constant 0 : i32
    return %c0_i32, %c0_i32_0 : i32, i32
  }
  func.func @transform_5(%arg0: i32) -> (i32, i32) {
    %c0_i32 = arith.constant 0 : i32
    %c0_i32_0 = arith.constant 0 : i32
    %c0_i32_1 = arith.constant 0 : i32
    return %c0_i32, %c0_i32_0 : i32, i32
  }
  func.func @transform_6(%arg0: i32) -> (i32, i32) {
    %c0_i32 = arith.constant 0 : i32
    %c0_i32_0 = arith.constant 0 : i32
    return %arg0, %c0_i32 : i32, i32
  }
  func.func @transform_7(%arg0: i32) -> (i32, i32) {
    %c0_i32 = arith.constant 0 : i32
    %c0_i32_0 = arith.constant 0 : i32
    %c0_i32_1 = arith.constant 0 : i32
    return %c0_i32, %c0_i32_0 : i32, i32
  }
  func.func @transform_8(%arg0: i32) -> (i32, i32) {
    %c0_i32 = arith.constant 0 : i32
    %c0_i32_0 = arith.constant 0 : i32
    %c0_i32_1 = arith.constant 0 : i32
    return %c0_i32, %c0_i32_0 : i32, i32
  }
  func.func @transform_9(%arg0: i32) -> (i32, i32) {
    %c0_i32 = arith.constant 0 : i32
    %c0_i32_0 = arith.constant 0 : i32
    %c0_i32_1 = arith.constant 0 : i32
    return %c0_i32, %c0_i32_0 : i32, i32
  }
  func.func @transform_10(%arg0: i32) -> (i32, i32) {
    %c0_i32 = arith.constant 0 : i32
    %c0_i32_0 = arith.constant 0 : i32
    %c0_i32_1 = arith.constant 0 : i32
    return %c0_i32, %c0_i32_0 : i32, i32
  }
  func.func @transform_11(%arg0: i32) -> (i32, i32) {
    %c0_i32 = arith.constant 0 : i32
    %c0_i32_0 = arith.constant 0 : i32
    return %c0_i32, %arg0 : i32, i32
  }
}

module attributes {stable_mosaic.version = 14 : i64} {
  func.func @_tc_final_body(%arg0: i32, %arg1: memref<2560x128xf32, #tpu.memory_space<vmem>>, %arg2: memref<2560x128xf32, #tpu.memory_space<vmem>>, %arg3: memref<2560x128xf32, #tpu.memory_space<vmem>>, %arg4: memref<2560x1xf32, #tpu.memory_space<vmem>>, %arg5: memref<128x128xf32, #tpu.memory_space<vmem>>, %arg6: memref<1x128xf32, #tpu.memory_space<vmem>>, %arg7: memref<2560x128xf32, #tpu.memory_space<vmem>>) attributes {dimension_semantics = [#tpu.dimension_semantics<arbitrary>], iteration_bounds = array<i64: 125>, scalar_prefetch = 0 : i64, scratch_operands = 0 : i64, tpu.core_type = #tpu.core_type<tc>, window_params = [{transform_indices = @transform_0, window_bounds = array<i64: 2560, 128>}, {transform_indices = @transform_1, window_bounds = array<i64: 2560, 128>}, {transform_indices = @transform_2, window_bounds = array<i64: 2560, 128>}, {transform_indices = @transform_3, window_bounds = array<i64: 2560, 1>}, {pipeline_mode = #tpu.pipeline_mode<synchronous>, transform_indices = @transform_4, window_bounds = array<i64: 128, 128>}, {pipeline_mode = #tpu.pipeline_mode<synchronous>, transform_indices = @transform_5, window_bounds = array<i64: 1, 128>}, {transform_indices = @transform_6, window_bounds = array<i64: 2560, 128>}]} {
    %get3A = arith.constant 0 : index
    %get3A_0 = arith.constant 0 : index
    %get3A_1 = vector.load %arg1[%get3A, %get3A_0] : memref<2560x128xf32, #tpu.memory_space<vmem>>, vector<2560x128xf32>
    %get3A_2 = arith.constant 0 : index
    %get3A_3 = arith.constant 0 : index
    %get3A_4 = vector.load %arg5[%get3A_2, %get3A_3] : memref<128x128xf32, #tpu.memory_space<vmem>>, vector<128x128xf32>
    %dot_general3A = arith.constant dense<0.000000e+00> : vector<2560x128xf32>
    %dot_general3A_5 = tpu.matmul %get3A_1, %get3A_4, %dot_general3A {dimension_numbers = #tpu.dot_dimension_numbers<[1], [1], [0], [0], [0, 0, 1, 0], [], []>, precision = #tpu.contract_precision<fp32>, transpose_lhs_hint = false} : vector<2560x128xf32>, vector<128x128xf32>, vector<2560x128xf32> -> vector<2560x128xf32>
    %get3A_6 = arith.constant 0 : index
    %get3A_7 = arith.constant 0 : index
    %get3A_8 = vector.load %arg2[%get3A_6, %get3A_7] : memref<2560x128xf32, #tpu.memory_space<vmem>>, vector<2560x128xf32>
    %add3A = arith.addf %dot_general3A_5, %get3A_8 : vector<2560x128xf32>
    %get3A_9 = arith.constant 0 : index
    %get3A_10 = arith.constant 0 : index
    %get3A_11 = vector.load %arg3[%get3A_9, %get3A_10] : memref<2560x128xf32, #tpu.memory_space<vmem>>, vector<2560x128xf32>
    %add3A_12 = arith.addf %add3A, %get3A_11 : vector<2560x128xf32>
    %get3A_13 = arith.constant 0 : index
    %get3A_14 = arith.constant 0 : index
    %get3A_15 = vector.load %arg4[%get3A_13, %get3A_14] : memref<2560x1xf32, #tpu.memory_space<vmem>>, vector<2560x1xf32>
    %mul3A = vector.broadcast %get3A_15 : vector<2560x1xf32> to vector<2560x128xf32>
    %mul3A_16 = arith.mulf %add3A_12, %mul3A : vector<2560x128xf32>
    %mul3A_17 = arith.mulf %mul3A_16, %mul3A_16 : vector<2560x128xf32>
    %reduce_sum3A = arith.constant dense<0.000000e+00> : vector<2560xf32>
    %reduce_sum3A_18 = vector.multi_reduction <add>, %mul3A_17, %reduce_sum3A [1] : vector<2560x128xf32> to vector<2560xf32>
    %broadcast_in_dim3A = vector.shape_cast %reduce_sum3A_18 : vector<2560xf32> to vector<2560x1xf32>
    %div3A = arith.constant 1.280000e+02 : f32
    %div3A_19 = vector.broadcast %div3A : f32 to vector<2560x1xf32>
    %div3A_20 = arith.divf %broadcast_in_dim3A, %div3A_19 : vector<2560x1xf32>
    %add3A_21 = arith.constant 1.1920929E-7 : f32
    %add3A_22 = vector.broadcast %add3A_21 : f32 to vector<2560x1xf32>
    %add3A_23 = arith.addf %div3A_20, %add3A_22 : vector<2560x1xf32>
    %rsqrt3A = math.rsqrt %add3A_23 : vector<2560x1xf32>
    %mul3A_24 = vector.broadcast %rsqrt3A : vector<2560x1xf32> to vector<2560x128xf32>
    %mul3A_25 = arith.mulf %mul3A_16, %mul3A_24 : vector<2560x128xf32>
    %get3A_26 = arith.constant 0 : index
    %get3A_27 = arith.constant 0 : index
    %get3A_28 = vector.load %arg6[%get3A_26, %get3A_27] : memref<1x128xf32, #tpu.memory_space<vmem>>, vector<1x128xf32>
    %mul3A_29 = vector.broadcast %get3A_28 : vector<1x128xf32> to vector<2560x128xf32>
    %mul3A_30 = arith.mulf %mul3A_25, %mul3A_29 : vector<2560x128xf32>
    %swap3A = arith.constant 0 : index
    %swap3A_31 = arith.constant 0 : index
    %swap3A_32 = vector.load %arg7[%swap3A, %swap3A_31] : memref<2560x128xf32, #tpu.memory_space<vmem>>, vector<2560x128xf32>
    tpu.vector_store %arg7[%swap3A, %swap3A_31], %mul3A_30 {strides = array<i32>} : memref<2560x128xf32, #tpu.memory_space<vmem>>, vector<2560x128xf32>,
    return
  }
  func.func @transform_0(%arg0: i32) -> (i32, i32) {
    %c0_i32 = arith.constant 0 : i32
    %c0_i32_0 = arith.constant 0 : i32
    return %arg0, %c0_i32 : i32, i32
  }
  func.func @transform_1(%arg0: i32) -> (i32, i32) {
    %c0_i32 = arith.constant 0 : i32
    %c0_i32_0 = arith.constant 0 : i32
    return %arg0, %c0_i32 : i32, i32
  }
  func.func @transform_2(%arg0: i32) -> (i32, i32) {
    %c0_i32 = arith.constant 0 : i32
    %c0_i32_0 = arith.constant 0 : i32
    return %arg0, %c0_i32 : i32, i32
  }
  func.func @transform_3(%arg0: i32) -> (i32, i32) {
    %c0_i32 = arith.constant 0 : i32
    %c0_i32_0 = arith.constant 0 : i32
    return %arg0, %c0_i32 : i32, i32
  }
  func.func @transform_4(%arg0: i32) -> (i32, i32) {
    %c0_i32 = arith.constant 0 : i32
    %c0_i32_0 = arith.constant 0 : i32
    %c0_i32_1 = arith.constant 0 : i32
    return %c0_i32, %c0_i32_0 : i32, i32
  }
  func.func @transform_5(%arg0: i32) -> (i32, i32) {
    %c0_i32 = arith.constant 0 : i32
    %c0_i32_0 = arith.constant 0 : i32
    %c0_i32_1 = arith.constant 0 : i32
    return %c0_i32, %c0_i32_0 : i32, i32
  }
  func.func @transform_6(%arg0: i32) -> (i32, i32) {
    %c0_i32 = arith.constant 0 : i32
    %c0_i32_0 = arith.constant 0 : i32
    return %arg0, %c0_i32 : i32, i32
  }
}

</mosaic_0001>

<sc_bundles>
// kernel: kernel.10.cloned.1.call-start
scs
__scs_entry_jumppad:
0x0: {  	(pc) =	sbr.rel $0x88, $3  }
0x1: {  	(tag) =	ssettag $0x0;
	lr =	simm.s32 $0x1  }
0x2: {  	[smem:$0x3F98] =	sst lr;
	_ =	strace $0xD0000000  }
0x3: {  	_ = 	snop  }
0x4: {  	_ = 	snop  }
0x5: {  	_ = 	snop  }
0x6: {  	_ = 	snop  }
0x7: {  	_ = 	snop  }
__scs_overlays_trampoline_lowered:
0x8: {  	[smem:$0x3FA7] =	sst s0  }
0x9: {  	[smem:$0x3FA8] =	sst s1  }
0xa: {  	[smem:$0x3FA9] =	sst s2  }
0xb: {  	[smem:$0x3FAA] =	sst s3  }
0xc: {  	[smem:$0x3FAB] =	sst s4  }
0xd: {  	[smem:$0x3FAC] =	sst s5  }
0xe: {  	[smem:$0x3FAD] =	sst s6  }
0xf: {  	[smem:$0x3FAE] =	sst s7  }
0x10: {  	[smem:$0x3FAF] =	sst s8  }
0x11: {  	[smem:$0x3FB0] =	sst s9;
	s0 =	simm.s32 @!p0 $0x0  }
0x12: {  	s1 =	sld [smem:$0x3F96];
	s0 =	simm.s32 @p0 $0x1  }
0x13: {  	[smem:$0x3FB1] =	sst s0;
	s0 =	simm.s32 @!p1 $0x0  }
0x14: {  	s2 =	sld [smem:$0x3F95];
	s0 =	simm.s32 @p1 $0x1  }
0x15: {  	[smem:$0x3FB2] =	sst s0;
	s0 =	simm.s32 @!p2 $0x0  }
0x16: {  	s3 =	sld [smem:$0x3FDB];
	s0 =	simm.s32 @p2 $0x1  }
0x17: {  	s4 =	simm.s32 $0x1BF5;
	[smem:$0x3FB4] =	sst s0  }
0x18: {  	s0 =	sld [smem:$0x3F97];
	_ =	swait.ge [sflag:s4], $0x0  }
0x19: {  	s7 =	sld [smem:$0x3F98]  }
0x1a: {  	s8 =	sadd.s32 $0xFFFFE003, lr  }
0x1b: {  	s9 =	sadd.s32 $0xFFFFFEF7, lr;
	s5 =	simm.s32 $0xFFFFFFFF;
	p2 =	slt.u32 s8, $0xFFFFF086  }
0x1c: {  	p1 =	slt.u32 s9, $0xF7A;
	s5 =	simm.s32 @!p2 $0x0  }
0x1d: {  	s5 =	simm.s32 @p1 $0x1;
	p0 =	seq.s32 s7, s2  }
0x1e: {  	s7 =	smul.u32 @!p0 $0xF7A, s2;
	p2 =	seq.s32 @!p0 s5, $0x0  }
0x1f: {  	s9 =	smul.u32 $0xF7A, s1;
	s8 =	simm.s32 @!p0 $0x1BF5;
	p2 =	por !p2, p0  }
0x20: {  	[sflag:s8] =	ssyncset.s32 @!p0 $0xFFFFF086;
	s6 =	sadd.s32 @!p0 s3, s7;
	s7 =	simm.s32 @!p0 $0x108  }
0x21: {  	s3 =	sadd.s32 s3, s9;
	s6 =	sadd.s32 @!p0 $0x88, s6;
	s7 =	simm.s32 @p2 $0x1082  }
0x22: {  	[simem:s7], [sflag:s8] =	dma.local @!p0 [hbm:s6], $0xF7A  }
0x23: {  	s9 =	sor.u32 $0xD0000000, s2;
	s6 =	simm.s32 $0x108;
	_ =	swait.ge @!p0 [sflag:s8], $0x0  }
0x24: {  	s3 =	sadd.s32 $0x88, s3;
	s6 =	simm.s32 @!p1 $0x1082;
	[sflag:s4] =	ssyncset.s32 $0xFFFFF086  }
0x25: {  	[simem:s6], [sflag:s4] =	dma.local [hbm:s3], $0xF7A  }
0x26: {  	[smem:$0x3F98] =	sst s1;
	(tag) =	ssettag s2;
	_ =	strace s9  }
0x27: {  	s1 =	sld [smem:$0x3FA8]  }
0x28: {  	s2 =	sld [smem:$0x3FA9]  }
0x29: {  	s4 =	sld [smem:$0x3FAB]  }
0x2a: {  	p0 =	seq.s32 s5, $0x0;
	s5 =	sld [smem:$0x3FAC]  }
0x2b: {  	s6 =	sld [smem:$0x3FAD]  }
0x2c: {  	s7 =	sld [smem:$0x3FAE]  }
0x2d: {  	s3 =	simm.s32 $0x108;
	s8 =	sld [smem:$0x3FAF]  }
0x2e: {  	s3 =	simm.s32 @!p0 $0x1082;
	s9 =	sld [smem:$0x3FB0]  }
0x2f: {  	lr =	sadd.s32 s0, s3;
	s0 =	sld [smem:$0x3FA7]  }
0x30: {  	s3 =	sld [smem:$0x3FAA]  }
0x31: {  	[smem:$0x3FB3] =	sst s10  }
0x32: {  	s10 =	sld [smem:$0x3FB1];
	_ =	sdelay $0x3  }
0x33: {  	p0 =	seq.s32 s10, $0x1;
	s10 =	sld [smem:$0x3FB3];
	_ =	sdelay $0x3  }
0x34: {  	[smem:$0x3FB3] =	sst s10  }
0x35: {  	s10 =	sld [smem:$0x3FB2];
	_ =	sdelay $0x3  }
0x36: {  	p1 =	seq.s32 s10, $0x1;
	s10 =	sld [smem:$0x3FB3];
	_ =	sdelay $0x3  }
0x37: {  	[smem:$0x3FB3] =	sst s10  }
0x38: {  	s10 =	sld [smem:$0x3FB4]  }
0x39: {  	_ = 	snop;
	(pc) =	sbr.ind lr, $3  }
0x3a: {  	_ = 	snop  }
0x3b: {  	_ = 	snop  }
0x3c: {  	p2 =	seq.s32 s10, $0x1;
	s10 =	sld [smem:$0x3FB3]  }
0x3d: {  	_ =	shalt  }
0x3e: {  	_ =	shalt  }
0x3f: {  	_ =	shalt  }
0x40: {  	_ =	shalt  }
0x41: {  	_ =	shalt  }
0x42: {  	_ =	shalt  }
0x43: {  	_ =	shalt  }
0x44: {  	_ =	shalt  }
0x45: {  	_ =	shalt  }
0x46: {  	_ =	shalt  }
0x47: {  	_ =	shalt  }
0x48: {  	_ =	shalt  }
0x49: {  	_ =	shalt  }
0x4a: {  	_ =	shalt  }
0x4b: {  	_ =	shalt  }
0x4c: {  	_ =	shalt  }
0x4d: {  	_ =	shalt  }
0x4e: {  	_ =	shalt  }
0x4f: {  	_ =	shalt  }
0x50: {  	_ =	shalt  }
0x51: {  	_ =	shalt  }
0x52: {  	_ =	shalt  }
0x53: {  	_ =	shalt  }
0x54: {  	_ =	shalt  }
0x55: {  	_ =	shalt  }
0x56: {  	_ =	shalt  }
0x57: {  	_ =	shalt  }
0x58: {  	_ =	shalt  }
0x59: {  	_ =	shalt  }
0x5a: {  	_ =	shalt  }
0x5b: {  	_ =	shalt  }
0x5c: {  	_ =	shalt  }
0x5d: {  	_ =	shalt  }
0x5e: {  	_ =	shalt  }
0x5f: {  	_ =	shalt  }
0x60: {  	_ =	shalt  }
0x61: {  	_ =	shalt  }
0x62: {  	_ =	shalt  }
0x63: {  	_ =	shalt  }
0x64: {  	_ =	shalt  }
0x65: {  	_ =	shalt  }
0x66: {  	_ =	shalt  }
0x67: {  	_ =	shalt  }
0x68: {  	_ =	shalt  }
0x69: {  	_ =	shalt  }
0x6a: {  	_ =	shalt  }
0x6b: {  	_ =	shalt  }
0x6c: {  	_ =	shalt  }
0x6d: {  	_ =	shalt  }
0x6e: {  	_ =	shalt  }
0x6f: {  	_ =	shalt  }
0x70: {  	_ =	shalt  }
0x71: {  	_ =	shalt  }
0x72: {  	_ =	shalt  }
0x73: {  	_ =	shalt  }
0x74: {  	_ =	shalt  }
0x75: {  	_ =	shalt  }
0x76: {  	_ =	shalt  }
0x77: {  	_ =	shalt  }
0x78: {  	_ =	shalt  }
0x79: {  	_ =	shalt  }
0x7a: {  	_ =	shalt  }
0x7b: {  	_ =	shalt  }
0x7c: {  	_ =	shalt  }
0x7d: {  	_ =	shalt  }
0x7e: {  	_ =	shalt  }
0x7f: {  	_ =	shalt  }
0x80: {  	_ =	shalt  }
0x81: {  	_ =	shalt  }
0x82: {  	_ =	shalt  }
0x83: {  	_ =	shalt  }
0x84: {  	_ =	shalt  }
0x85: {  	_ =	shalt  }
0x86: {  	_ =	shalt  }
0x87: {  	_ =	shalt  }
.Lfunc_end0:
.L_simem_size_0:
called_computation.1_lowered:
.L_overlay_start_0:
0x88: {  	s2 =	sld [smem:$0x3FD9]  }
0x89: {  	s3 =	sld [smem:$0x3FFE];
	_ =	sdelay $0x1  }
0x8a: {  	s1 =	srdreg.scid  }
0x8b: {  	s0 =	sand.u32 $0x1, s1  }
0x8c: {  	s16 =	sshll.u32 s0, $0xA;
	s2 =	sadd.s32 s3, s2  }
0x8d: {  	s2 =	sadd.s32 s2, s16  }
0x8e: {  	[smem:$0x3FBF] =	sst s2  }
0x8f: {  	_ = 	snop  }
0x90: {  	(tm) =	ssettm $0x1  }
0x91: {  	s17 =	sld [smem:$0x3FFB];
	_ =	sdelay $0x3  }
0x92: {  	_ =	strace s17  }
0x93: {  	s2 =	sld [smem:$0x3FFC];
	_ =	sdelay $0x3  }
0x94: {  	_ =	strace s2  }
0x95: {  	s2 =	sld [smem:$0x3FFD];
	_ =	sdelay $0x3  }
0x96: {  	_ =	strace s2  }
0x97: {  	_ =	strace $0x8FFFFFFF  }
0x98: {  	s18 =	sld [smem:$0x3FDB];
	_ =	sdelay $0x1  }
0x99: {  	s19 =	simm.s32 $_scs_section_size  }
0x9a: {  	s4 =	simm.s32 $_size__tile_overlayer_lowered;
	s5 =	simm.s32 $_tile_overlayer_lowered  }
0x9b: {  	s22 =	simm.s32 $0x1BFF;
	s21 =	sshll.u32 s5, $0x1;
	s2 =	sadd.s32 s19, s18  }
0x9c: {  	s6 =	simm.s32 $0x0;
	s20 =	sshll.u32 s4, $0x1;
	s4 =	sadd.s32 s21, s2  }
0x9d: {  	[timem:s6], [sflag:s22] =	dma.local [hbm:s4], s20  }
0x9e: {  	_ =	swait.ge [sflag:s22], s20  }
0x9f: {  	s3 =	ssub.s32 $0x0, s20;
	[sflag:s22] =	ssyncset.done $0x0  }
0xa0: {  	[sflag:s22] =	ssyncadd.s32 s3;
	_ =	sdelay $0x1  }
0xa1: {  	s23 =	simm.s32 $0x1B8B  }
0xa2: {  	_ =	swait.ge [sflag:s23], $0x1  }
0xa3: {  	[sflag:s23] =	ssyncset.done $0x0  }
0xa4: {  	s25 =	simm.s32 $0x1B8E;
	s24 =	sld [smem:$0x3FFE];
	[sflag:s23] =	ssyncadd.s32 $0xFFFFFFFF  }
0xa5: {  	s26 =	simm.s32 $execute0_lowered;
	[smem:$0x3FD2] =	sst s25  }
0xa6: {  	s4 =	sshll.u32 s26, $0x1;
	_ =	strace $0x80000049;
	[dreg:$0x1] =	wrdreg $0xFFFFFFFF  }
0xa7: {  	s28 =	simm.s32 $_size_execute0_lowered;
	s2 =	sadd.s32 s2, s4;
	[dreg:$0x0] =	wrdreg $0x0  }
0xa8: {  	s4 =	sshll.u32 s28, $0x1;
	[dreg:$0x2] =	wrdreg s2  }
0xa9: {  	[dreg:$0x3] =	wrdreg s4  }
0xaa: {  	[dreg:$0x4] =	wrdreg $0xC0  }
0xab: {  	_ =	task [dreg:s6], $0x5FFFF  }
0xac: {  	[dreg:$0x1] =	wrdreg $0xFFFFFFFF  }
0xad: {  	[dreg:$0x0] =	wrdreg $0x60  }
0xae: {  	[dreg:$0x2] =	wrdreg s24  }
0xaf: {  	[dreg:$0x3] =	wrdreg $0x9  }
0xb0: {  	_ =	task.clear_ibuf [dreg:s6], $0x4FFFF;
	_ =	strace $0x90000049  }
0xb1: {  	s29 =	simm.s32 $0x9;
	_ =	strace $0x8000004B  }
0xb2: {  	_ =	swait.ge [sflag:s29], $0x1  }
0xb3: {  	[sflag:s29] =	ssyncadd.s32 $0xFFFFFFFF  }
0xb4: {  	_ =	strace $0x9000004B  }
0xb5: {  	_ =	sfence  }
0xb6: {  	s30 =	sld [smem:$0x0];
	_ =	sdelay $0x2  }
0xb7: {  	s31 =	sshll.u32 s1, $0xD;
	s1 =	sshrl.u32 s1, $0x2  }
0xb8: {  	s3 =	sand.u32 $0x4000, s31;
	s1 =	sadd.s32 s1, s30  }
0xb9: {  	s0 =	sor.u32 s3, s0;
	s1 =	sshll.u32 s1, $0x11  }
0xba: {  	s0 =	sor.u32 s1, s0  }
0xbb: {  	s0 =	sadd.s32 $0x8F2B, s0  }
0xbc: {  	[sflag:s0] =	ssyncadd.remote.s32 $0x1  }
0xbd: {  	_ =	sfence.sel $0xFFFF  }
0xbe: {  	[dreg:$0x0] =	wrdreg $0xFFFFFFFF;
	(pc) =	sbr.abs _section_cstart, $3  }
0xbf: {  	[dreg:$0x1] =	wrdreg $0xFFFFFFFF  }
0xc0: {  	_ =	task.clear_ibuf [dreg:s6], $0x2FFFF;
	_ =	strace $0x9FFFFFFF  }
0xc1: {  	(tm) =	ssettm $0x7FFFFFFF  }
tec
execute0_lowered:
.L_overlay_start_1:
0x0: {  	(tag) =	ssettag $0x1  }
0x1: {  	s1 =	srdreg.scid;
	s0 =	stileid.u32  }
0x2: {  	s4 =	rddreg [dreg:$0x0];
	s2 =	simm.s32 $0x0;
	s10 =	simm.s32 $0x100  }
0x3: {  	s11 =	simm.s32 $0x1;
	s12 =	simm.s32 $0x2800;
	s13 =	simm.s32 $0x5000  }
0x4: {  	s14 =	simm.s32 $0x7800;
	s3 =	sand.u32 $0x1, s1;
	s5 =	sshll.u32 s0, $0x1  }
0x5: {  	s15 =	simm.s32 $0xA000;
	s16 =	simm.s32 $0x0;
	s5 =	sor.u32 s3, s5  }
0x6: {  	[smem:$0x7FF] =	sst s2;
	s6 =	ssub.s32 $0x2, s3;
	s5 =	smul.u32 $0x500, s5  }
0x7: {  	s1 =	rddreg [dreg:$0x1];
	_ =	strace $0x8000004A;
	s7 =	sshrl.u32 s6, $0x1  }
0x8: {  	s3 =	sadd.s32 $0x1F800, s4;
	s9 =	ssub.s32 s6, s7;
	s8 =	sadd.s32 s5, s4  }
0x9: {  	s4 =	sadd.s32 $0x1F810, s4;
	s5 =	sadd.s32 $0x15800, s8;
	s6 =	sadd.s32 $0xB800, s8  }
0xa: {  	s7 =	sadd.s32 $0x20200, s8;
	s8 =	smax.u32 s9, $0x1;
	s9 =	simm.s32 $0x80  }
.LBB2_1:
0xb: {  	[tilespmem:s2], [sflag:$0x1] =	stream.strided.gather [hbm4b:s3+s9], $0x2800, s10, s9, $0x38;
	[tilespmem:$0xC800] =	vst v63  }
0xc: {  	_ =	swait.ge [sflag:s11], $0x2800  }
0xd: {  	[sflag:s11] =	ssyncset.done $0x0  }
0xe: {  	[sflag:s11] =	ssyncadd.s32 $0xFFFFD800  }
0xf: {  	[tilespmem:s12], [sflag:$0x1] =	stream.strided.gather [hbm4b:s4+s9], $0x2800, s10, s9, $0x38;
	[tilespmem:$0xC800] =	vst v63  }
0x10: {  	_ =	swait.ge [sflag:s11], $0x2800  }
0x11: {  	[sflag:s11] =	ssyncset.done $0x0  }
0x12: {  	[sflag:s11] =	ssyncadd.s32 $0xFFFFD800  }
0x13: {  	[tilespmem:s13], [sflag:$0x1] =	stream.linear.gather [hbm4b:s5+s2], $0x2800, $0x38;
	[tilespmem:$0xC800] =	vst v63  }
0x14: {  	_ =	swait.ge [sflag:s11], $0x2800  }
0x15: {  	[sflag:s11] =	ssyncset.done $0x0  }
0x16: {  	[sflag:s11] =	ssyncadd.s32 $0xFFFFD800  }
0x17: {  	[tilespmem:s14], [sflag:$0x1] =	stream.linear.gather [hbm4b:s6+s2], $0x2800, $0x38;
	[tilespmem:$0xC800] =	vst v63  }
0x18: {  	_ =	swait.ge [sflag:s11], $0x2800  }
0x19: {  	[sflag:s11] =	ssyncset.done $0x0  }
0x1a: {  	s17 =	simm.s32 $0x0;
	[sflag:s11] =	ssyncadd.s32 $0xFFFFD800  }
0x1b: {  	s18 =	simm.s32 $0x40;
	v0 =	vld [tilespmem:s17+$0x2800]  }
.LBB2_2:
0x1c: {  	p0 =	sne.s32 s18, $0x9FC0;
	v1 =	vld [tilespmem:s17+$0x0];
	_ =	sdelay $0x2  }
.Ltmp0:
0x1d: {  	(pc) =	sbr.rel @p0 .LBB2_2-.Ltmp0, $4  }
0x1e: {  	_ = 	snop  }
0x1f: {  	v1 =	vadd.f32 v0, v1  }
0x20: {  	s19 =	sshra.s32 s18, $0x2  }
0x21: {  	s18 =	sadd.s32 $0x40, s18;
	v0 =	vld [tilespmem:s19+$0x2800];
	[tilespmem:s17+$0x0] =	vst v1;
	s17 =	smov.u32 s19  }
0x22: {  	v1 =	vld [tilespmem:s17+$0x0];
	_ =	sdelay $0x4  }
0x23: {  	v0 =	vadd.f32 v0, v1;
	_ =	sdelay $0x1  }
0x24: {  	[tilespmem:s17+$0x0] =	vst v0;
	s17 =	simm.s32 $0x0  }
0x25: {  	v0 =	vld [tilespmem:s17+$0x7800];
	_ =	sdelay $0x7  }
0x26: {  	v0 =	vld.idx.msk [tilespmem:v0+s2+$0x0], $0xffff;
	_ =	sdelay $0x4  }
0x27: {  	(erf) = vrcp.f32 v0;
	_ =	sdelay $0x3  }
0x28: {  	v1 =	vld [tilespmem:s17+$0x7810]  }
0x29: {  	v0 =	vld [tilespmem:s17+$0x5000];
	_ =	sdelay $0x3  }
0x2a: {  	v2 =	vpop (erf)  }
0x2b: {  	v0 =	vmul.f32 v2, v0;
	_ =	sdelay $0x1  }
0x2c: {  	[tilespmem:s17+$0xA000] =	vst v0  }
0x2d: {  	v0 =	vld.idx.msk [tilespmem:v1+s2+$0x0], $0xffff;
	_ =	sdelay $0x4  }
0x2e: {  	(erf) = vrcp.f32 v0;
	_ =	sdelay $0x3  }
0x2f: {  	v1 =	vld [tilespmem:s17+$0x7820]  }
0x30: {  	v0 =	vld [tilespmem:s17+$0x5010];
	_ =	sdelay $0x3  }
0x31: {  	v2 =	vpop (erf)  }
0x32: {  	v0 =	vmul.f32 v2, v0;
	_ =	sdelay $0x1  }
0x33: {  	[tilespmem:s17+$0xA010] =	vst v0  }
0x34: {  	v0 =	vld.idx.msk [tilespmem:v1+s2+$0x0], $0xffff;
	_ =	sdelay $0x4  }
0x35: {  	(erf) = vrcp.f32 v0;
	_ =	sdelay $0x3  }
0x36: {  	v1 =	vld [tilespmem:s17+$0x7830]  }
0x37: {  	v0 =	vld [tilespmem:s17+$0x5020];
	_ =	sdelay $0x3  }
0x38: {  	v2 =	vpop (erf)  }
0x39: {  	v0 =	vmul.f32 v2, v0;
	_ =	sdelay $0x1  }
0x3a: {  	[tilespmem:s17+$0xA020] =	vst v0  }
0x3b: {  	v0 =	vld.idx.msk [tilespmem:v1+s2+$0x0], $0xffff;
	_ =	sdelay $0x4  }
0x3c: {  	(erf) = vrcp.f32 v0;
	_ =	sdelay $0x3  }
0x3d: {  	v1 =	vld [tilespmem:s17+$0x7840]  }
0x3e: {  	v0 =	vld [tilespmem:s17+$0x5030];
	_ =	sdelay $0x3  }
0x3f: {  	v2 =	vpop (erf)  }
0x40: {  	v0 =	vmul.f32 v2, v0;
	_ =	sdelay $0x1  }
0x41: {  	[tilespmem:s17+$0xA030] =	vst v0  }
0x42: {  	v0 =	vld.idx.msk [tilespmem:v1+s2+$0x0], $0xffff;
	_ =	sdelay $0x4  }
0x43: {  	(erf) = vrcp.f32 v0;
	_ =	sdelay $0x3  }
0x44: {  	v1 =	vld [tilespmem:s17+$0x7850]  }
0x45: {  	v0 =	vld [tilespmem:s17+$0x5040];
	_ =	sdelay $0x3  }
0x46: {  	v2 =	vpop (erf)  }
0x47: {  	v0 =	vmul.f32 v2, v0;
	_ =	sdelay $0x1  }
0x48: {  	[tilespmem:s17+$0xA040] =	vst v0  }
0x49: {  	v0 =	vld.idx.msk [tilespmem:v1+s2+$0x0], $0xffff;
	_ =	sdelay $0x4  }
0x4a: {  	(erf) = vrcp.f32 v0;
	_ =	sdelay $0x3  }
0x4b: {  	v1 =	vld [tilespmem:s17+$0x7860]  }
0x4c: {  	v0 =	vld [tilespmem:s17+$0x5050];
	_ =	sdelay $0x3  }
0x4d: {  	v2 =	vpop (erf)  }
0x4e: {  	v0 =	vmul.f32 v2, v0;
	_ =	sdelay $0x1  }
0x4f: {  	[tilespmem:s17+$0xA050] =	vst v0  }
0x50: {  	v0 =	vld.idx.msk [tilespmem:v1+s2+$0x0], $0xffff;
	_ =	sdelay $0x4  }
0x51: {  	(erf) = vrcp.f32 v0;
	_ =	sdelay $0x3  }
0x52: {  	v1 =	vld [tilespmem:s17+$0x7870]  }
0x53: {  	v0 =	vld [tilespmem:s17+$0x5060];
	_ =	sdelay $0x3  }
0x54: {  	v2 =	vpop (erf)  }
0x55: {  	v0 =	vmul.f32 v2, v0;
	_ =	sdelay $0x1  }
0x56: {  	[tilespmem:s17+$0xA060] =	vst v0  }
0x57: {  	v0 =	vld.idx.msk [tilespmem:v1+s2+$0x0], $0xffff;
	_ =	sdelay $0x4  }
0x58: {  	(erf) = vrcp.f32 v0;
	_ =	sdelay $0x3  }
0x59: {  	s19 =	simm.s32 $0x80;
	s18 =	simm.s32 $0x400;
	v0 =	vld [tilespmem:s17+$0x5070]  }
.LBB2_4:
0x5a: {  	p0 =	sne.s32 s18, $0x9E00;
	v1 =	vld [tilespmem:s19+$0x7800];
	_ =	sdelay $0x3  }
0x5b: {  	v2 =	vpop (erf)  }
0x5c: {  	v0 =	vmul.f32 v2, v0;
	_ =	sdelay $0x1  }
0x5d: {  	[tilespmem:s17+$0xA070] =	vst v0;
	s17 =	smov.u32 s19  }
0x5e: {  	v0 =	vld.idx.msk [tilespmem:v1+s2+$0x0], $0xffff;
	_ =	sdelay $0x5  }
0x5f: {  	(erf) = vrcp.f32 v0;
	_ =	sdelay $0x3  }
0x60: {  	v0 =	vld [tilespmem:s17+$0x5000]  }
0x61: {  	v1 =	vld [tilespmem:s17+$0x7810];
	_ =	sdelay $0x3  }
0x62: {  	v2 =	vpop (erf)  }
0x63: {  	v0 =	vmul.f32 v2, v0;
	_ =	sdelay $0x1  }
0x64: {  	[tilespmem:s17+$0xA000] =	vst v0  }
0x65: {  	v0 =	vld.idx.msk [tilespmem:v1+s2+$0x0], $0xffff;
	_ =	sdelay $0x5  }
0x66: {  	(erf) = vrcp.f32 v0;
	_ =	sdelay $0x3  }
0x67: {  	v0 =	vld [tilespmem:s17+$0x5010]  }
0x68: {  	v1 =	vld [tilespmem:s17+$0x7820];
	_ =	sdelay $0x3  }
0x69: {  	v2 =	vpop (erf)  }
0x6a: {  	v0 =	vmul.f32 v2, v0;
	_ =	sdelay $0x1  }
0x6b: {  	[tilespmem:s17+$0xA010] =	vst v0  }
0x6c: {  	v0 =	vld.idx.msk [tilespmem:v1+s2+$0x0], $0xffff;
	_ =	sdelay $0x5  }
0x6d: {  	(erf) = vrcp.f32 v0;
	_ =	sdelay $0x3  }
0x6e: {  	v0 =	vld [tilespmem:s17+$0x5020]  }
0x6f: {  	v1 =	vld [tilespmem:s17+$0x7830];
	_ =	sdelay $0x3  }
0x70: {  	v2 =	vpop (erf)  }
0x71: {  	v0 =	vmul.f32 v2, v0;
	_ =	sdelay $0x1  }
0x72: {  	[tilespmem:s17+$0xA020] =	vst v0  }
0x73: {  	v0 =	vld.idx.msk [tilespmem:v1+s2+$0x0], $0xffff;
	_ =	sdelay $0x5  }
0x74: {  	(erf) = vrcp.f32 v0;
	_ =	sdelay $0x3  }
0x75: {  	v0 =	vld [tilespmem:s17+$0x5030]  }
0x76: {  	v1 =	vld [tilespmem:s17+$0x7840];
	_ =	sdelay $0x3  }
0x77: {  	v2 =	vpop (erf)  }
0x78: {  	v0 =	vmul.f32 v2, v0;
	_ =	sdelay $0x1  }
0x79: {  	[tilespmem:s17+$0xA030] =	vst v0  }
0x7a: {  	v0 =	vld.idx.msk [tilespmem:v1+s2+$0x0], $0xffff;
	_ =	sdelay $0x5  }
0x7b: {  	(erf) = vrcp.f32 v0;
	_ =	sdelay $0x3  }
0x7c: {  	v0 =	vld [tilespmem:s17+$0x5040]  }
0x7d: {  	v1 =	vld [tilespmem:s17+$0x7850];
	_ =	sdelay $0x3  }
0x7e: {  	v2 =	vpop (erf)  }
0x7f: {  	v0 =	vmul.f32 v2, v0;
	_ =	sdelay $0x1  }
0x80: {  	[tilespmem:s17+$0xA040] =	vst v0  }
0x81: {  	v0 =	vld.idx.msk [tilespmem:v1+s2+$0x0], $0xffff;
	_ =	sdelay $0x5  }
0x82: {  	(erf) = vrcp.f32 v0;
	_ =	sdelay $0x3  }
0x83: {  	v0 =	vld [tilespmem:s17+$0x5050]  }
0x84: {  	v1 =	vld [tilespmem:s17+$0x7860];
	_ =	sdelay $0x3  }
0x85: {  	v2 =	vpop (erf)  }
0x86: {  	v0 =	vmul.f32 v2, v0;
	_ =	sdelay $0x1  }
0x87: {  	[tilespmem:s17+$0xA050] =	vst v0  }
0x88: {  	v0 =	vld.idx.msk [tilespmem:v1+s2+$0x0], $0xffff;
	_ =	sdelay $0x5  }
0x89: {  	(erf) = vrcp.f32 v0;
	_ =	sdelay $0x3  }
0x8a: {  	v0 =	vld [tilespmem:s17+$0x5060]  }
0x8b: {  	v1 =	vld [tilespmem:s17+$0x7870];
	_ =	sdelay $0x3  }
0x8c: {  	v2 =	vpop (erf)  }
0x8d: {  	v0 =	vmul.f32 v2, v0;
	_ =	sdelay $0x1  }
0x8e: {  	[tilespmem:s17+$0xA060] =	vst v0  }
0x8f: {  	v0 =	vld.idx.msk [tilespmem:v1+s2+$0x0], $0xffff;
	_ =	sdelay $0x5  }
.Ltmp1:
0x90: {  	(erf) = vrcp.f32 v0;
	(pc) =	sbr.rel @p0 .LBB2_4-.Ltmp1, $2  }
0x91: {  	_ =	sdelay $0x2  }
0x92: {  	s19 =	sshra.s32 s18, $0x2;
	s18 =	sadd.s32 $0x200, s18;
	v0 =	vld [tilespmem:s17+$0x5070]  }
0x93: {  	v1 =	vld [tilespmem:s19+$0x7800];
	_ =	sdelay $0x3  }
0x94: {  	v2 =	vpop (erf)  }
0x95: {  	v0 =	vmul.f32 v2, v0;
	_ =	sdelay $0x1  }
0x96: {  	[tilespmem:s17+$0xA070] =	vst v0  }
0x97: {  	v0 =	vld.idx.msk [tilespmem:v1+s2+$0x0], $0xffff;
	_ =	sdelay $0x4  }
0x98: {  	(erf) = vrcp.f32 v0;
	_ =	sdelay $0x3  }
0x99: {  	v41 =	vld [tilespmem:s19+$0x5000]  }
0x9a: {  	v42 =	vld [tilespmem:s19+$0x7810];
	_ =	sdelay $0x3  }
0x9b: {  	v43 =	vpop (erf)  }
0x9c: {  	v0 =	vmul.f32 v43, v41;
	_ =	sdelay $0x1  }
0x9d: {  	[tilespmem:s19+$0xA000] =	vst v0  }
0x9e: {  	v0 =	vld.idx.msk [tilespmem:v42+s2+$0x0], $0xffff;
	_ =	sdelay $0x4  }
0x9f: {  	(erf) = vrcp.f32 v0;
	_ =	sdelay $0x3  }
0xa0: {  	v44 =	vld [tilespmem:s19+$0x5010]  }
0xa1: {  	v45 =	vld [tilespmem:s19+$0x7820];
	_ =	sdelay $0x3  }
0xa2: {  	v46 =	vpop (erf)  }
0xa3: {  	v0 =	vmul.f32 v46, v44;
	_ =	sdelay $0x1  }
0xa4: {  	[tilespmem:s19+$0xA010] =	vst v0  }
0xa5: {  	v0 =	vld.idx.msk [tilespmem:v45+s2+$0x0], $0xffff;
	_ =	sdelay $0x4  }
0xa6: {  	(erf) = vrcp.f32 v0;
	_ =	sdelay $0x3  }
0xa7: {  	v47 =	vld [tilespmem:s19+$0x5020]  }
0xa8: {  	v48 =	vld [tilespmem:s19+$0x7830];
	_ =	sdelay $0x3  }
0xa9: {  	v49 =	vpop (erf)  }
0xaa: {  	v0 =	vmul.f32 v49, v47;
	_ =	sdelay $0x1  }
0xab: {  	[tilespmem:s19+$0xA020] =	vst v0  }
0xac: {  	v0 =	vld.idx.msk [tilespmem:v48+s2+$0x0], $0xffff;
	_ =	sdelay $0x4  }
0xad: {  	(erf) = vrcp.f32 v0;
	_ =	sdelay $0x3  }
0xae: {  	v50 =	vld [tilespmem:s19+$0x5030]  }
0xaf: {  	v51 =	vld [tilespmem:s19+$0x7840];
	_ =	sdelay $0x3  }
0xb0: {  	v52 =	vpop (erf)  }
0xb1: {  	v0 =	vmul.f32 v52, v50;
	_ =	sdelay $0x1  }
0xb2: {  	[tilespmem:s19+$0xA030] =	vst v0  }
0xb3: {  	v0 =	vld.idx.msk [tilespmem:v51+s2+$0x0], $0xffff;
	_ =	sdelay $0x4  }
0xb4: {  	(erf) = vrcp.f32 v0;
	_ =	sdelay $0x3  }
0xb5: {  	v53 =	vld [tilespmem:s19+$0x5040]  }
0xb6: {  	v54 =	vld [tilespmem:s19+$0x7850];
	_ =	sdelay $0x3  }
0xb7: {  	v55 =	vpop (erf)  }
0xb8: {  	v0 =	vmul.f32 v55, v53;
	_ =	sdelay $0x1  }
0xb9: {  	[tilespmem:s19+$0xA040] =	vst v0  }
0xba: {  	v0 =	vld.idx.msk [tilespmem:v54+s2+$0x0], $0xffff;
	_ =	sdelay $0x4  }
0xbb: {  	(erf) = vrcp.f32 v0;
	_ =	sdelay $0x3  }
0xbc: {  	v56 =	vld [tilespmem:s19+$0x5050]  }
0xbd: {  	v57 =	vld [tilespmem:s19+$0x7860];
	_ =	sdelay $0x3  }
0xbe: {  	v58 =	vpop (erf)  }
0xbf: {  	v0 =	vmul.f32 v58, v56;
	_ =	sdelay $0x1  }
0xc0: {  	[tilespmem:s19+$0xA050] =	vst v0  }
0xc1: {  	v0 =	vld.idx.msk [tilespmem:v57+s2+$0x0], $0xffff;
	_ =	sdelay $0x4  }
0xc2: {  	(erf) = vrcp.f32 v0;
	_ =	sdelay $0x3  }
0xc3: {  	v59 =	vld [tilespmem:s19+$0x5060]  }
0xc4: {  	v60 =	vld [tilespmem:s19+$0x7870];
	_ =	sdelay $0x3  }
0xc5: {  	v61 =	vpop (erf)  }
0xc6: {  	v0 =	vmul.f32 v61, v59;
	_ =	sdelay $0x1  }
0xc7: {  	[tilespmem:s19+$0xA060] =	vst v0  }
0xc8: {  	v0 =	vld.idx.msk [tilespmem:v60+s2+$0x0], $0xffff;
	_ =	sdelay $0x4  }
0xc9: {  	(erf) = vrcp.f32 v0;
	_ =	sdelay $0x4  }
0xca: {  	v62 =	vld [tilespmem:s19+$0x5070];
	_ =	sdelay $0x3  }
0xcb: {  	v63 =	vpop (erf)  }
0xcc: {  	s16 =	sadd.s32 $0x1, s16;
	v0 =	vmul.f32 v63, v62  }
0xcd: {  	p0 =	sne.s32 s16, s8  }
.Ltmp2:
0xce: {  	[tilespmem:s19+$0xA070] =	vst v0;
	(pc) =	sbr.rel @p0 .LBB2_1-.Ltmp2, $4  }
0xcf: {  	[hbm4b:s7+s2] =	stream.linear.scatter [tilespmem:s15], [sflag:$0x1], $0x2800, $0x38;
	[tilespmem:$0xC800] =	vst v63  }
0xd0: {  	_ =	swait.ge [sflag:s11], $0x2800  }
0xd1: {  	[sflag:s11] =	ssyncset.done $0x0  }
0xd2: {  	[sflag:s11] =	ssyncadd.s32 $0xFFFFD800  }
0xd3: {  	_ =	sfence.sel $0x180000  }
0xd4: {  	[bflag:$0x0] =	sbarrier.arrive $0xFFFF  }
0xd5: {  	p0 =	sne.s32 s0, $0x0;
	_ =	strace $0x9000004A  }
0xd6: {  	s0 =	sadd.s32 @!p0 $0x100000, s1;
	[bflag:$0x2] =	sbarrier.arrive $0xFFFF  }
0xd7: {  	[sflag:s0] =	ssyncadd.tile.s32 @!p0 $0x1;
	_ =	shalt  }
.Lfunc_end2:
_tile_overlayer_lowered:
.L_overlay_start_2:
0xd8: {  	(tag) =	ssettag $0x2  }
0xd9: {  	s0 =	rddreg [dreg:$0x0];
	s2 =	stileid.u32  }
0xda: {  	s1 =	rddreg [dreg:$0x1];
	p0 =	sne.s32 s2, $0x0  }
0xdb: {  	s3 =	rddreg [dreg:$0x2];
	[bflag:$0x3] =	sbarrier.arrive $0xFFFF;
	s2 =	simm.s32 @!p0 $0x1C01  }
0xdc: {  	[timem:s3], [sflag:s2] =	dma.local @!p0 [hbm:s0], s1  }
0xdd: {  	s0 =	simm.s32 @!p0 $0x1  }
0xde: {  	_ =	swait.ge @!p0 [sflag:s0], s1  }
0xdf: {  	s1 =	ssub.s32 @!p0 $0x0, s1;
	[sflag:s0] =	ssyncset.done @!p0 $0x0  }
0xe0: {  	[sflag:s0] =	ssyncadd.s32 @!p0 s1  }
0xe1: {  	[bflag:$0x3] =	sbarrier.arrive $0xFFFF  }
0xe2: {  	_ =	shalt  }

// kernel: kernel.13.cloned.1.call-start
scs
__scs_entry_jumppad:
0x0: {  	(pc) =	sbr.rel $0x88, $3  }
0x1: {  	(tag) =	ssettag $0x0;
	lr =	simm.s32 $0x1  }
0x2: {  	[smem:$0x3F98] =	sst lr;
	_ =	strace $0xD0000000  }
0x3: {  	_ = 	snop  }
0x4: {  	_ = 	snop  }
0x5: {  	_ = 	snop  }
0x6: {  	_ = 	snop  }
0x7: {  	_ = 	snop  }
__scs_overlays_trampoline_lowered:
0x8: {  	[smem:$0x3FA7] =	sst s0  }
0x9: {  	[smem:$0x3FA8] =	sst s1  }
0xa: {  	[smem:$0x3FA9] =	sst s2  }
0xb: {  	[smem:$0x3FAA] =	sst s3  }
0xc: {  	[smem:$0x3FAB] =	sst s4  }
0xd: {  	[smem:$0x3FAC] =	sst s5  }
0xe: {  	[smem:$0x3FAD] =	sst s6  }
0xf: {  	[smem:$0x3FAE] =	sst s7  }
0x10: {  	[smem:$0x3FAF] =	sst s8  }
0x11: {  	[smem:$0x3FB0] =	sst s9;
	s0 =	simm.s32 @!p0 $0x0  }
0x12: {  	s1 =	sld [smem:$0x3F96];
	s0 =	simm.s32 @p0 $0x1  }
0x13: {  	[smem:$0x3FB1] =	sst s0;
	s0 =	simm.s32 @!p1 $0x0  }
0x14: {  	s2 =	sld [smem:$0x3F95];
	s0 =	simm.s32 @p1 $0x1  }
0x15: {  	[smem:$0x3FB2] =	sst s0;
	s0 =	simm.s32 @!p2 $0x0  }
0x16: {  	s3 =	sld [smem:$0x3FDB];
	s0 =	simm.s32 @p2 $0x1  }
0x17: {  	s4 =	simm.s32 $0x1BF5;
	[smem:$0x3FB4] =	sst s0  }
0x18: {  	s0 =	sld [smem:$0x3F97];
	_ =	swait.ge [sflag:s4], $0x0  }
0x19: {  	s7 =	sld [smem:$0x3F98]  }
0x1a: {  	s8 =	sadd.s32 $0xFFFFE003, lr  }
0x1b: {  	s9 =	sadd.s32 $0xFFFFFEF7, lr;
	s5 =	simm.s32 $0xFFFFFFFF;
	p2 =	slt.u32 s8, $0xFFFFF086  }
0x1c: {  	p1 =	slt.u32 s9, $0xF7A;
	s5 =	simm.s32 @!p2 $0x0  }
0x1d: {  	s5 =	simm.s32 @p1 $0x1;
	p0 =	seq.s32 s7, s2  }
0x1e: {  	s7 =	smul.u32 @!p0 $0xF7A, s2;
	p2 =	seq.s32 @!p0 s5, $0x0  }
0x1f: {  	s9 =	smul.u32 $0xF7A, s1;
	s8 =	simm.s32 @!p0 $0x1BF5;
	p2 =	por !p2, p0  }
0x20: {  	[sflag:s8] =	ssyncset.s32 @!p0 $0xFFFFF086;
	s6 =	sadd.s32 @!p0 s3, s7;
	s7 =	simm.s32 @!p0 $0x108  }
0x21: {  	s3 =	sadd.s32 s3, s9;
	s6 =	sadd.s32 @!p0 $0x88, s6;
	s7 =	simm.s32 @p2 $0x1082  }
0x22: {  	[simem:s7], [sflag:s8] =	dma.local @!p0 [hbm:s6], $0xF7A  }
0x23: {  	s9 =	sor.u32 $0xD0000000, s2;
	s6 =	simm.s32 $0x108;
	_ =	swait.ge @!p0 [sflag:s8], $0x0  }
0x24: {  	s3 =	sadd.s32 $0x88, s3;
	s6 =	simm.s32 @!p1 $0x1082;
	[sflag:s4] =	ssyncset.s32 $0xFFFFF086  }
0x25: {  	[simem:s6], [sflag:s4] =	dma.local [hbm:s3], $0xF7A  }
0x26: {  	[smem:$0x3F98] =	sst s1;
	(tag) =	ssettag s2;
	_ =	strace s9  }
0x27: {  	s1 =	sld [smem:$0x3FA8]  }
0x28: {  	s2 =	sld [smem:$0x3FA9]  }
0x29: {  	s4 =	sld [smem:$0x3FAB]  }
0x2a: {  	p0 =	seq.s32 s5, $0x0;
	s5 =	sld [smem:$0x3FAC]  }
0x2b: {  	s6 =	sld [smem:$0x3FAD]  }
0x2c: {  	s7 =	sld [smem:$0x3FAE]  }
0x2d: {  	s3 =	simm.s32 $0x108;
	s8 =	sld [smem:$0x3FAF]  }
0x2e: {  	s3 =	simm.s32 @!p0 $0x1082;
	s9 =	sld [smem:$0x3FB0]  }
0x2f: {  	lr =	sadd.s32 s0, s3;
	s0 =	sld [smem:$0x3FA7]  }
0x30: {  	s3 =	sld [smem:$0x3FAA]  }
0x31: {  	[smem:$0x3FB3] =	sst s10  }
0x32: {  	s10 =	sld [smem:$0x3FB1];
	_ =	sdelay $0x3  }
0x33: {  	p0 =	seq.s32 s10, $0x1;
	s10 =	sld [smem:$0x3FB3];
	_ =	sdelay $0x3  }
0x34: {  	[smem:$0x3FB3] =	sst s10  }
0x35: {  	s10 =	sld [smem:$0x3FB2];
	_ =	sdelay $0x3  }
0x36: {  	p1 =	seq.s32 s10, $0x1;
	s10 =	sld [smem:$0x3FB3];
	_ =	sdelay $0x3  }
0x37: {  	[smem:$0x3FB3] =	sst s10  }
0x38: {  	s10 =	sld [smem:$0x3FB4]  }
0x39: {  	_ = 	snop;
	(pc) =	sbr.ind lr, $3  }
0x3a: {  	_ = 	snop  }
0x3b: {  	_ = 	snop  }
0x3c: {  	p2 =	seq.s32 s10, $0x1;
	s10 =	sld [smem:$0x3FB3]  }
0x3d: {  	_ =	shalt  }
0x3e: {  	_ =	shalt  }
0x3f: {  	_ =	shalt  }
0x40: {  	_ =	shalt  }
0x41: {  	_ =	shalt  }
0x42: {  	_ =	shalt  }
0x43: {  	_ =	shalt  }
0x44: {  	_ =	shalt  }
0x45: {  	_ =	shalt  }
0x46: {  	_ =	shalt  }
0x47: {  	_ =	shalt  }
0x48: {  	_ =	shalt  }
0x49: {  	_ =	shalt  }
0x4a: {  	_ =	shalt  }
0x4b: {  	_ =	shalt  }
0x4c: {  	_ =	shalt  }
0x4d: {  	_ =	shalt  }
0x4e: {  	_ =	shalt  }
0x4f: {  	_ =	shalt  }
0x50: {  	_ =	shalt  }
0x51: {  	_ =	shalt  }
0x52: {  	_ =	shalt  }
0x53: {  	_ =	shalt  }
0x54: {  	_ =	shalt  }
0x55: {  	_ =	shalt  }
0x56: {  	_ =	shalt  }
0x57: {  	_ =	shalt  }
0x58: {  	_ =	shalt  }
0x59: {  	_ =	shalt  }
0x5a: {  	_ =	shalt  }
0x5b: {  	_ =	shalt  }
0x5c: {  	_ =	shalt  }
0x5d: {  	_ =	shalt  }
0x5e: {  	_ =	shalt  }
0x5f: {  	_ =	shalt  }
0x60: {  	_ =	shalt  }
0x61: {  	_ =	shalt  }
0x62: {  	_ =	shalt  }
0x63: {  	_ =	shalt  }
0x64: {  	_ =	shalt  }
0x65: {  	_ =	shalt  }
0x66: {  	_ =	shalt  }
0x67: {  	_ =	shalt  }
0x68: {  	_ =	shalt  }
0x69: {  	_ =	shalt  }
0x6a: {  	_ =	shalt  }
0x6b: {  	_ =	shalt  }
0x6c: {  	_ =	shalt  }
0x6d: {  	_ =	shalt  }
0x6e: {  	_ =	shalt  }
0x6f: {  	_ =	shalt  }
0x70: {  	_ =	shalt  }
0x71: {  	_ =	shalt  }
0x72: {  	_ =	shalt  }
0x73: {  	_ =	shalt  }
0x74: {  	_ =	shalt  }
0x75: {  	_ =	shalt  }
0x76: {  	_ =	shalt  }
0x77: {  	_ =	shalt  }
0x78: {  	_ =	shalt  }
0x79: {  	_ =	shalt  }
0x7a: {  	_ =	shalt  }
0x7b: {  	_ =	shalt  }
0x7c: {  	_ =	shalt  }
0x7d: {  	_ =	shalt  }
0x7e: {  	_ =	shalt  }
0x7f: {  	_ =	shalt  }
0x80: {  	_ =	shalt  }
0x81: {  	_ =	shalt  }
0x82: {  	_ =	shalt  }
0x83: {  	_ =	shalt  }
0x84: {  	_ =	shalt  }
0x85: {  	_ =	shalt  }
0x86: {  	_ =	shalt  }
0x87: {  	_ =	shalt  }
.Lfunc_end0:
.L_simem_size_0:
called_computation.2_lowered:
.L_overlay_start_0:
0x88: {  	s2 =	sld [smem:$0x3FD9]  }
0x89: {  	s3 =	sld [smem:$0x3FFE];
	_ =	sdelay $0x1  }
0x8a: {  	s1 =	srdreg.scid  }
0x8b: {  	s0 =	sand.u32 $0x1, s1  }
0x8c: {  	s17 =	sshll.u32 s0, $0xA;
	s2 =	sadd.s32 s3, s2  }
0x8d: {  	s2 =	sadd.s32 s2, s17  }
0x8e: {  	[smem:$0x3FBF] =	sst s2  }
0x8f: {  	_ = 	snop  }
0x90: {  	s18 =	sld [smem:$0x3FD0];
	(tm) =	ssettm $0x1  }
0x91: {  	s19 =	sld [smem:$0x3FFB];
	_ =	sdelay $0x3  }
0x92: {  	_ =	strace s19  }
0x93: {  	s2 =	sld [smem:$0x3FFC];
	_ =	sdelay $0x3  }
0x94: {  	_ =	strace s2  }
0x95: {  	s2 =	sld [smem:$0x3FFD];
	_ =	sdelay $0x3  }
0x96: {  	_ =	strace s2  }
0x97: {  	_ =	strace $0x8FFFFFFF  }
0x98: {  	s20 =	sld [smem:$0x3FDB];
	_ =	sdelay $0x1  }
0x99: {  	s4 =	simm.s32 $_scs_section_size  }
0x9a: {  	s5 =	simm.s32 $_size__tile_overlayer_lowered;
	s6 =	simm.s32 $_tile_overlayer_lowered  }
0x9b: {  	s7 =	simm.s32 $0x1BFF;
	s21 =	sshll.u32 s6, $0x1;
	s4 =	sadd.s32 s4, s20  }
0x9c: {  	s22 =	simm.s32 $0x0;
	s5 =	sshll.u32 s5, $0x1;
	s6 =	sadd.s32 s21, s4  }
0x9d: {  	[timem:s22], [sflag:s7] =	dma.local [hbm:s6], s5  }
0x9e: {  	_ =	swait.ge [sflag:s7], s5  }
0x9f: {  	s5 =	ssub.s32 $0x0, s5;
	[sflag:s7] =	ssyncset.done $0x0  }
0xa0: {  	[sflag:s7] =	ssyncadd.s32 s5;
	_ =	sdelay $0x1  }
0xa1: {  	s23 =	simm.s32 $0x1B8B  }
0xa2: {  	_ =	swait.ge [sflag:s23], $0x1  }
0xa3: {  	[sflag:s23] =	ssyncset.done $0x0  }
0xa4: {  	[sflag:s23] =	ssyncadd.s32 $0xFFFFFFFF  }
0xa5: {  	s5 =	sld [smem:$0x0]  }
0xa6: {  	s6 =	sand.u32 $0xFFFFFFFE, s1  }
0xa7: {  	p0 =	sne.s32 s1, s6  }
0xa8: {  	s6 =	sshll.u32 @p0 s6, $0xE  }
0xa9: {  	s6 =	sadd.s32 @p0 $0x11B8D, s6;
	s7 =	sshll.u32 @p0 s5, $0x11  }
0xaa: {  	s6 =	sor.u32 @p0 s7, s6  }
0xab: {  	[sflag:s6] =	ssyncadd.remote.s32 @p0 $0x1;
	_ =	sdelay $0x1  }
0xac: {  	s6 =	simm.s32 @p0 $0x1B8D  }
0xad: {  	_ =	swait.eq @p0 [sflag:s6], $0x1  }
0xae: {  	[sflag:s6] =	ssyncadd.s32 @p0 $0xFFFFFFFF  }
0xaf: {  	s7 =	sshll.u32 @!p0 s1, $0xE  }
0xb0: {  	s7 =	sor.u32 @!p0 $0x4000, s7;
	s6 =	simm.s32 @!p0 $0x1B8D  }
0xb1: {  	s5 =	sshll.u32 @!p0 s5, $0x11;
	s7 =	sadd.s32 @!p0 $0x11B8D, s7;
	_ =	swait.eq @!p0 [sflag:s6], $0x1  }
0xb2: {  	s5 =	sor.u32 @!p0 s5, s7;
	[sflag:s6] =	ssyncadd.s32 @!p0 $0xFFFFFFFF  }
0xb3: {  	s25 =	simm.s32 $0x1B8E;
	s24 =	sld [smem:$0x3FFE];
	[sflag:s5] =	ssyncadd.remote.s32 @!p0 $0x1  }
0xb4: {  	s26 =	simm.s32 $execute0_lowered;
	[smem:$0x3FD2] =	sst s25  }
0xb5: {  	s6 =	sshll.u32 s26, $0x1;
	_ =	strace $0x8000004C;
	[dreg:$0x1] =	wrdreg $0xFFFFFFFF  }
0xb6: {  	s28 =	simm.s32 $_size_execute0_lowered;
	s4 =	sadd.s32 s4, s6;
	[dreg:$0x0] =	wrdreg $0x0  }
0xb7: {  	s6 =	sshll.u32 s28, $0x1;
	[dreg:$0x2] =	wrdreg s4  }
0xb8: {  	[dreg:$0x3] =	wrdreg s6  }
0xb9: {  	[dreg:$0x4] =	wrdreg $0xC0  }
0xba: {  	_ =	task [dreg:s22], $0x5FFFF  }
0xbb: {  	[dreg:$0x1] =	wrdreg $0xFFFFFFFF  }
0xbc: {  	[dreg:$0x0] =	wrdreg $0x60  }
0xbd: {  	[dreg:$0x2] =	wrdreg s18  }
0xbe: {  	[dreg:$0x3] =	wrdreg s24  }
0xbf: {  	[dreg:$0x4] =	wrdreg $0xA8000  }
0xc0: {  	[dreg:$0x5] =	wrdreg $0xA  }
0xc1: {  	_ =	task.clear_ibuf [dreg:s22], $0x6FFFF;
	_ =	strace $0x9000004C  }
0xc2: {  	s29 =	simm.s32 $0xA;
	_ =	strace $0x8000004E  }
0xc3: {  	_ =	swait.ge [sflag:s29], $0x1  }
0xc4: {  	[sflag:s29] =	ssyncadd.s32 $0xFFFFFFFF  }
0xc5: {  	_ =	strace $0x9000004E  }
0xc6: {  	_ =	sfence  }
0xc7: {  	s30 =	sld [smem:$0x0];
	_ =	sdelay $0x2  }
0xc8: {  	s31 =	sshll.u32 s1, $0xD;
	s1 =	sshrl.u32 s1, $0x2  }
0xc9: {  	s4 =	sand.u32 $0x4000, s31;
	s1 =	sadd.s32 s1, s30  }
0xca: {  	s0 =	sor.u32 s4, s0;
	s1 =	sshll.u32 s1, $0x11  }
0xcb: {  	s0 =	sor.u32 s1, s0  }
0xcc: {  	s0 =	sadd.s32 $0x8F2B, s0  }
0xcd: {  	[sflag:s0] =	ssyncadd.remote.s32 $0x1  }
0xce: {  	_ =	sfence.sel $0xFFFF  }
0xcf: {  	[dreg:$0x0] =	wrdreg $0xFFFFFFFF;
	(pc) =	sbr.abs _section_cstart, $3  }
0xd0: {  	[dreg:$0x1] =	wrdreg $0xFFFFFFFF  }
0xd1: {  	_ =	task.clear_ibuf [dreg:s22], $0x2FFFF;
	_ =	strace $0x9FFFFFFF  }
0xd2: {  	(tm) =	ssettm $0x7FFFFFFF  }
0xd3: {  	_ =	shalt  }
tec
execute0_lowered:
.L_overlay_start_1:
0x0: {  	(tag) =	ssettag $0x1  }
0x1: {  	s0 =	rddreg [dreg:$0x0]  }
0x2: {  	s1 =	rddreg [dreg:$0x1]  }
0x3: {  	s2 =	rddreg [dreg:$0x2]  }
0x4: {  	s4 =	srdreg.scid;
	s9 =	stileid.u32;
	s3 =	simm.s32 $0x0  }
0x5: {  	s28 =	simm.s32 $0x6800;
	s29 =	simm.s32 $0x1;
	s30 =	simm.s32 $0x2  }
0x6: {  	s31 =	simm.s32 $0x0;
	s4 =	sand.u32 $0x1, s4;
	s8 =	smul.u32 $0x50000, s9  }
0x7: {  	s5 =	sshll.u32 s9, $0x1;
	[smem:$0x7FF] =	sst s3;
	s14 =	smul.u32 $0x280, s9  }
0x8: {  	s21 =	sadd.s32 $0x2A200, s1;
	s17 =	smul.u32 $0x2800, s9;
	s5 =	sor.u32 s4, s5  }
0x9: {  	_ =	strace $0x8000004D;
	s6 =	ssub.s32 $0x2, s4;
	s26 =	smul.u32 $0x28000, s4  }
0xa: {  	s5 =	smul.u32 $0x500, s5;
	s7 =	sshrl.u32 s6, $0x1;
	s25 =	sadd.s32 $0x80, s14  }
0xb: {  	s11 =	sadd.s32 $0x100, s14;
	s15 =	sadd.s32 $0x180, s14;
	s16 =	sadd.s32 $0x200, s14  }
0xc: {  	s6 =	ssub.s32 s6, s7;
	s7 =	sadd.s32 s0, s17;
	s18 =	sshll.u32 s25, $0x4  }
0xd: {  	s10 =	sshll.u32 s25, $0x7;
	s19 =	sshll.u32 s11, $0x4;
	s12 =	sshll.u32 s11, $0x7  }
0xe: {  	s20 =	sshll.u32 s15, $0x4;
	s15 =	sshll.u32 s15, $0x7;
	s22 =	sshll.u32 s16, $0x4  }
0xf: {  	s16 =	sshll.u32 s16, $0x7;
	s17 =	sadd.s32 s21, s17;
	s25 =	simm.s32 $0x2800  }
0x10: {  	s5 =	sadd.s32 s5, s1;
	s1 =	sadd.s32 s8, s1;
	s24 =	smax.u32 s6, $0x1  }
0x11: {  	s8 =	sshrl.u32 s8, $0x2;
	s9 =	sadd.s32 s0, s18;
	s10 =	sadd.s32 s10, s2  }
0x12: {  	s11 =	sadd.s32 s0, s19;
	s12 =	sadd.s32 s12, s2;
	s13 =	sadd.s32 s0, s20  }
0x13: {  	s14 =	sadd.s32 s15, s2;
	s15 =	sadd.s32 s0, s22;
	s16 =	sadd.s32 s16, s2  }
0x14: {  	s18 =	sadd.s32 s21, s18;
	s19 =	sadd.s32 s21, s19;
	s20 =	sadd.s32 s21, s20  }
0x15: {  	s21 =	sadd.s32 s21, s22;
	s23 =	sadd.s32 $0xB800, s5;
	s5 =	sadd.s32 $0x1800, s5  }
0x16: {  	[dreg:$0x6] =	wrdreg s24;
	s8 =	sadd.s32 s8, s2;
	s0 =	sadd.s32 s26, s1  }
0x17: {  	s24 =	simm.s32 $0x3;
	s26 =	simm.s32 $0x80;
	[dreg:$0x4] =	wrdreg s23  }
0x18: {  	[dreg:$0x5] =	wrdreg s5;
	s22 =	sadd.s32 $0x52A00, s0;
	s23 =	sadd.s32 $0x552A00, s0  }
.LBB2_1:
0x19: {  	s0 =	rddreg [dreg:$0x4]  }
0x1a: {  	[tilespmem:s3], [sflag:$0x3] =	stream.linear.gather [hbm4b:s0+s3], $0x2800, $0x38;
	[tilespmem:$0x1E800] =	vst v63  }
0x1b: {  	_ =	swait.ge [sflag:s24], $0x2800  }
0x1c: {  	[sflag:s24] =	ssyncset.done $0x0  }
0x1d: {  	[sflag:s24] =	ssyncadd.s32 $0xFFFFD800  }
0x1e: {  	[tilespmem:s25], [sflag:$0x3] =	stream.linear.gather [hbm4b:s7+s3], $0x4000, $0x38;
	[tilespmem:$0x1E800] =	vst v63  }
0x1f: {  	_ =	swait.ge [sflag:s24], $0x4000  }
0x20: {  	[sflag:s24] =	ssyncset.done $0x0  }
0x21: {  	[sflag:s24] =	ssyncadd.s32 $0xFFFFC000  }
0x22: {  	[spmem:s8] =	stream.linear.scatter [tilespmem:s25], [sflag:$0x3], $0x4000, $0x38;
	[tilespmem:$0x1E800] =	vst v63  }
0x23: {  	_ =	swait.ge [sflag:s24], $0x4000  }
0x24: {  	[sflag:s24] =	ssyncset.done $0x0  }
0x25: {  	[sflag:s24] =	ssyncadd.s32 $0xFFFFC000  }
0x26: {  	[tilespmem:s25], [sflag:$0x3] =	stream.linear.gather [hbm4b:s9+s3], $0x4000, $0x38;
	[tilespmem:$0x1E800] =	vst v63  }
0x27: {  	_ =	swait.ge [sflag:s24], $0x4000  }
0x28: {  	[sflag:s24] =	ssyncset.done $0x0  }
0x29: {  	[sflag:s24] =	ssyncadd.s32 $0xFFFFC000  }
0x2a: {  	[spmem:s10] =	stream.linear.scatter [tilespmem:s25], [sflag:$0x3], $0x4000, $0x38;
	[tilespmem:$0x1E800] =	vst v63  }
0x2b: {  	_ =	swait.ge [sflag:s24], $0x4000  }
0x2c: {  	[sflag:s24] =	ssyncset.done $0x0  }
0x2d: {  	[sflag:s24] =	ssyncadd.s32 $0xFFFFC000  }
0x2e: {  	[tilespmem:s25], [sflag:$0x3] =	stream.linear.gather [hbm4b:s11+s3], $0x4000, $0x38;
	[tilespmem:$0x1E800] =	vst v63  }
0x2f: {  	_ =	swait.ge [sflag:s24], $0x4000  }
0x30: {  	[sflag:s24] =	ssyncset.done $0x0  }
0x31: {  	[sflag:s24] =	ssyncadd.s32 $0xFFFFC000  }
0x32: {  	[spmem:s12] =	stream.linear.scatter [tilespmem:s25], [sflag:$0x3], $0x4000, $0x38;
	[tilespmem:$0x1E800] =	vst v63  }
0x33: {  	_ =	swait.ge [sflag:s24], $0x4000  }
0x34: {  	[sflag:s24] =	ssyncset.done $0x0  }
0x35: {  	[sflag:s24] =	ssyncadd.s32 $0xFFFFC000  }
0x36: {  	[tilespmem:s25], [sflag:$0x3] =	stream.linear.gather [hbm4b:s13+s3], $0x4000, $0x38;
	[tilespmem:$0x1E800] =	vst v63  }
0x37: {  	_ =	swait.ge [sflag:s24], $0x4000  }
0x38: {  	[sflag:s24] =	ssyncset.done $0x0  }
0x39: {  	[sflag:s24] =	ssyncadd.s32 $0xFFFFC000  }
0x3a: {  	[spmem:s14] =	stream.linear.scatter [tilespmem:s25], [sflag:$0x3], $0x4000, $0x38;
	[tilespmem:$0x1E800] =	vst v63  }
0x3b: {  	_ =	swait.ge [sflag:s24], $0x4000  }
0x3c: {  	[sflag:s24] =	ssyncset.done $0x0  }
0x3d: {  	[sflag:s24] =	ssyncadd.s32 $0xFFFFC000  }
0x3e: {  	[tilespmem:s25], [sflag:$0x3] =	stream.linear.gather [hbm4b:s15+s3], $0x4000, $0x38;
	[tilespmem:$0x1E800] =	vst v63  }
0x3f: {  	_ =	swait.ge [sflag:s24], $0x4000  }
0x40: {  	[sflag:s24] =	ssyncset.done $0x0  }
0x41: {  	[sflag:s24] =	ssyncadd.s32 $0xFFFFC000  }
0x42: {  	[spmem:s16] =	stream.linear.scatter [tilespmem:s25], [sflag:$0x3], $0x4000, $0x38;
	[tilespmem:$0x1E800] =	vst v63  }
0x43: {  	_ =	swait.ge [sflag:s24], $0x4000  }
0x44: {  	[sflag:s24] =	ssyncset.done $0x0  }
0x45: {  	[sflag:s24] =	ssyncadd.s32 $0xFFFFC000  }
0x46: {  	s4 =	simm.s32 $0x0;
	[bflag:$0x0] =	sbarrier.arrive $0xFFFF  }
0x47: {  	[tilespmem:s25], [sflag:$0x1] =	stream.indirect.gather [spmem:s2], $0x80, s4, s26, $0xb8;
	[tilespmem:$0x1E800] =	vst v63  }
0x48: {  	s5 =	simm.s32 $0x80  }
0x49: {  	[tilespmem:s28], [sflag:$0x1] =	stream.indirect.gather [spmem:s2], $0x80, s5, s26, $0xb8;
	[tilespmem:$0x1E800] =	vst v63  }
0x4a: {  	_ =	swait.ge [sflag:s29], $0x4000  }
0x4b: {  	[sflag:s29] =	ssyncset.done $0x0  }
0x4c: {  	[sflag:s29] =	ssyncadd.s32 $0xFFFFC000  }
0x4d: {  	_ =	swait.ge [sflag:s29], $0x4000  }
0x4e: {  	[sflag:s29] =	ssyncset.done $0x0  }
0x4f: {  	s6 =	sadd.s32 $0xFFFFF800, s22;
	[sflag:s29] =	ssyncadd.s32 $0xFFFFC000  }
0x50: {  	[hbm4b:s6+s3] =	stream.linear.scatter [tilespmem:s25], [sflag:$0x2], $0x4000, $0x38;
	[tilespmem:$0x1E800] =	vst v63  }
0x51: {  	_ = 	snop  }
0x52: {  	[hbm4b:s22+s3] =	stream.linear.scatter [tilespmem:s28], [sflag:$0x2], $0x4000, $0x38;
	[tilespmem:$0x1E800] =	vst v63  }
0x53: {  	_ =	swait.ge [sflag:s30], $0x4000  }
0x54: {  	[sflag:s30] =	ssyncset.done $0x0  }
0x55: {  	[sflag:s30] =	ssyncadd.s32 $0xFFFFC000  }
0x56: {  	s1 =	simm.s32 $0x400;
	_ =	swait.ge [sflag:s30], $0x4000  }
0x57: {  	s0 =	sadd.s32 $0x1000, s22;
	s4 =	simm.s32 $0x800;
	[sflag:s30] =	ssyncset.done $0x0  }
.LBB2_2:
0x58: {  	s5 =	sshra.s32 s1, $0x2  }
0x59: {  	[sflag:s30] =	ssyncadd.s32 $0xFFFFC000;
	s1 =	smov.u32 s4;
	s6 =	sadd.s32 $0x400, s4  }
0x5a: {  	[tilespmem:s25], [sflag:$0x1] =	stream.indirect.gather [spmem:s2], $0x80, s5, s26, $0xb8;
	[tilespmem:$0x1E800] =	vst v63  }
0x5b: {  	p0 =	sne.s32 s4, $0x9C00;
	s4 =	sadd.s32 $0x80, s5  }
0x5c: {  	[tilespmem:s28], [sflag:$0x1] =	stream.indirect.gather [spmem:s2], $0x80, s4, s26, $0xb8;
	[tilespmem:$0x1E800] =	vst v63  }
0x5d: {  	_ =	swait.ge [sflag:s29], $0x4000  }
0x5e: {  	[sflag:s29] =	ssyncset.done $0x0  }
0x5f: {  	[sflag:s29] =	ssyncadd.s32 $0xFFFFC000  }
0x60: {  	_ =	swait.ge [sflag:s29], $0x4000  }
0x61: {  	[sflag:s29] =	ssyncset.done $0x0  }
0x62: {  	s4 =	sadd.s32 $0xFFFFF800, s0;
	[sflag:s29] =	ssyncadd.s32 $0xFFFFC000  }
0x63: {  	[hbm4b:s4+s3] =	stream.linear.scatter [tilespmem:s25], [sflag:$0x2], $0x4000, $0x38;
	[tilespmem:$0x1E800] =	vst v63  }
0x64: {  	_ = 	snop  }
0x65: {  	[hbm4b:s0+s3] =	stream.linear.scatter [tilespmem:s28], [sflag:$0x2], $0x4000, $0x38;
	[tilespmem:$0x1E800] =	vst v63  }
.Ltmp0:
0x66: {  	_ =	swait.ge [sflag:s30], $0x4000;
	(pc) =	sbr.rel @p0 .LBB2_2-.Ltmp0, $4  }
0x67: {  	[sflag:s30] =	ssyncset.done $0x0  }
0x68: {  	[sflag:s30] =	ssyncadd.s32 $0xFFFFC000  }
0x69: {  	_ =	swait.ge [sflag:s30], $0x4000  }
0x6a: {  	s4 =	smov.u32 s6;
	s0 =	sadd.s32 $0x1000, s0;
	[sflag:s30] =	ssyncset.done $0x0  }
0x6b: {  	s1 =	sshra.s32 s1, $0x2;
	[sflag:s30] =	ssyncadd.s32 $0xFFFFC000  }
0x6c: {  	[tilespmem:s25], [sflag:$0x1] =	stream.indirect.gather [spmem:s2], $0x80, s1, s26, $0xb8;
	[tilespmem:$0x1E800] =	vst v63  }
0x6d: {  	s1 =	sadd.s32 $0x80, s1  }
0x6e: {  	[tilespmem:s28], [sflag:$0x1] =	stream.indirect.gather [spmem:s2], $0x80, s1, s26, $0xb8;
	[tilespmem:$0x1E800] =	vst v63  }
0x6f: {  	_ =	swait.ge [sflag:s29], $0x4000  }
0x70: {  	[sflag:s29] =	ssyncset.done $0x0  }
0x71: {  	[sflag:s29] =	ssyncadd.s32 $0xFFFFC000  }
0x72: {  	_ =	swait.ge [sflag:s29], $0x4000  }
0x73: {  	[sflag:s29] =	ssyncset.done $0x0  }
0x74: {  	s4 =	sadd.s32 $0xFFFFF800, s0;
	[sflag:s29] =	ssyncadd.s32 $0xFFFFC000  }
0x75: {  	[hbm4b:s4+s3] =	stream.linear.scatter [tilespmem:s25], [sflag:$0x2], $0x4000, $0x38;
	[tilespmem:$0x1E800] =	vst v63  }
0x76: {  	_ = 	snop  }
0x77: {  	[hbm4b:s0+s3] =	stream.linear.scatter [tilespmem:s28], [sflag:$0x2], $0x4000, $0x38;
	[tilespmem:$0x1E800] =	vst v63  }
0x78: {  	_ =	swait.ge [sflag:s30], $0x4000  }
0x79: {  	[sflag:s30] =	ssyncset.done $0x0  }
0x7a: {  	[sflag:s30] =	ssyncadd.s32 $0xFFFFC000  }
0x7b: {  	_ =	swait.ge [sflag:s30], $0x4000  }
0x7c: {  	[sflag:s30] =	ssyncset.done $0x0  }
0x7d: {  	[sflag:s30] =	ssyncadd.s32 $0xFFFFC000  }
0x7e: {  	[bflag:$0x0] =	sbarrier.arrive $0xFFFF  }
0x7f: {  	s5 =	simm.s32 $0x0;
	s6 =	rddreg [dreg:$0x5]  }
0x80: {  	[tilespmem:s5], [sflag:$0x3] =	stream.linear.gather [hbm4b:s6+s5], $0x2800, $0x38;
	[tilespmem:$0x1E800] =	vst v63  }
0x81: {  	_ =	swait.ge [sflag:s24], $0x2800  }
0x82: {  	[sflag:s24] =	ssyncset.done $0x0  }
0x83: {  	[sflag:s24] =	ssyncadd.s32 $0xFFFFD800  }
0x84: {  	[tilespmem:s25], [sflag:$0x3] =	stream.linear.gather [hbm4b:s17+s5], $0x4000, $0x38;
	[tilespmem:$0x1E800] =	vst v63  }
0x85: {  	_ =	swait.ge [sflag:s24], $0x4000  }
0x86: {  	[sflag:s24] =	ssyncset.done $0x0  }
0x87: {  	[sflag:s24] =	ssyncadd.s32 $0xFFFFC000  }
0x88: {  	[spmem:s8] =	stream.linear.scatter [tilespmem:s25], [sflag:$0x3], $0x4000, $0x38;
	[tilespmem:$0x1E800] =	vst v63  }
0x89: {  	_ =	swait.ge [sflag:s24], $0x4000  }
0x8a: {  	[sflag:s24] =	ssyncset.done $0x0  }
0x8b: {  	[sflag:s24] =	ssyncadd.s32 $0xFFFFC000  }
0x8c: {  	[tilespmem:s25], [sflag:$0x3] =	stream.linear.gather [hbm4b:s18+s5], $0x4000, $0x38;
	[tilespmem:$0x1E800] =	vst v63  }
0x8d: {  	_ =	swait.ge [sflag:s24], $0x4000  }
0x8e: {  	[sflag:s24] =	ssyncset.done $0x0  }
0x8f: {  	[sflag:s24] =	ssyncadd.s32 $0xFFFFC000  }
0x90: {  	[spmem:s10] =	stream.linear.scatter [tilespmem:s25], [sflag:$0x3], $0x4000, $0x38;
	[tilespmem:$0x1E800] =	vst v63  }
0x91: {  	_ =	swait.ge [sflag:s24], $0x4000  }
0x92: {  	[sflag:s24] =	ssyncset.done $0x0  }
0x93: {  	[sflag:s24] =	ssyncadd.s32 $0xFFFFC000  }
0x94: {  	[tilespmem:s25], [sflag:$0x3] =	stream.linear.gather [hbm4b:s19+s5], $0x4000, $0x38;
	[tilespmem:$0x1E800] =	vst v63  }
0x95: {  	_ =	swait.ge [sflag:s24], $0x4000  }
0x96: {  	[sflag:s24] =	ssyncset.done $0x0  }
0x97: {  	[sflag:s24] =	ssyncadd.s32 $0xFFFFC000  }
0x98: {  	[spmem:s12] =	stream.linear.scatter [tilespmem:s25], [sflag:$0x3], $0x4000, $0x38;
	[tilespmem:$0x1E800] =	vst v63  }
0x99: {  	_ =	swait.ge [sflag:s24], $0x4000  }
0x9a: {  	[sflag:s24] =	ssyncset.done $0x0  }
0x9b: {  	[sflag:s24] =	ssyncadd.s32 $0xFFFFC000  }
0x9c: {  	[tilespmem:s25], [sflag:$0x3] =	stream.linear.gather [hbm4b:s20+s5], $0x4000, $0x38;
	[tilespmem:$0x1E800] =	vst v63  }
0x9d: {  	_ =	swait.ge [sflag:s24], $0x4000  }
0x9e: {  	[sflag:s24] =	ssyncset.done $0x0  }
0x9f: {  	[sflag:s24] =	ssyncadd.s32 $0xFFFFC000  }
0xa0: {  	[spmem:s14] =	stream.linear.scatter [tilespmem:s25], [sflag:$0x3], $0x4000, $0x38;
	[tilespmem:$0x1E800] =	vst v63  }
0xa1: {  	_ =	swait.ge [sflag:s24], $0x4000  }
0xa2: {  	[sflag:s24] =	ssyncset.done $0x0  }
0xa3: {  	[sflag:s24] =	ssyncadd.s32 $0xFFFFC000  }
0xa4: {  	[tilespmem:s25], [sflag:$0x3] =	stream.linear.gather [hbm4b:s21+s5], $0x4000, $0x38;
	[tilespmem:$0x1E800] =	vst v63  }
0xa5: {  	_ =	swait.ge [sflag:s24], $0x4000  }
0xa6: {  	[sflag:s24] =	ssyncset.done $0x0  }
0xa7: {  	[sflag:s24] =	ssyncadd.s32 $0xFFFFC000  }
0xa8: {  	[spmem:s16] =	stream.linear.scatter [tilespmem:s25], [sflag:$0x3], $0x4000, $0x38;
	[tilespmem:$0x1E800] =	vst v63  }
0xa9: {  	_ =	swait.ge [sflag:s24], $0x4000  }
0xaa: {  	[sflag:s24] =	ssyncset.done $0x0  }
0xab: {  	[sflag:s24] =	ssyncadd.s32 $0xFFFFC000  }
0xac: {  	s4 =	simm.s32 $0x0;
	[bflag:$0x0] =	sbarrier.arrive $0xFFFF  }
0xad: {  	[tilespmem:s25], [sflag:$0x1] =	stream.indirect.gather [spmem:s2], $0x80, s4, s26, $0xb8;
	[tilespmem:$0x1E800] =	vst v63  }
0xae: {  	s5 =	simm.s32 $0x80  }
0xaf: {  	[tilespmem:s28], [sflag:$0x1] =	stream.indirect.gather [spmem:s2], $0x80, s5, s26, $0xb8;
	[tilespmem:$0x1E800] =	vst v63  }
0xb0: {  	_ =	swait.ge [sflag:s29], $0x4000  }
0xb1: {  	[sflag:s29] =	ssyncset.done $0x0  }
0xb2: {  	[sflag:s29] =	ssyncadd.s32 $0xFFFFC000  }
0xb3: {  	_ =	swait.ge [sflag:s29], $0x4000  }
0xb4: {  	[sflag:s29] =	ssyncset.done $0x0  }
0xb5: {  	s6 =	sadd.s32 $0xFFFFF800, s23;
	[sflag:s29] =	ssyncadd.s32 $0xFFFFC000  }
0xb6: {  	[hbm4b:s6+s3] =	stream.linear.scatter [tilespmem:s25], [sflag:$0x2], $0x4000, $0x38;
	[tilespmem:$0x1E800] =	vst v63  }
0xb7: {  	_ = 	snop  }
0xb8: {  	[hbm4b:s23+s3] =	stream.linear.scatter [tilespmem:s28], [sflag:$0x2], $0x4000, $0x38;
	[tilespmem:$0x1E800] =	vst v63  }
0xb9: {  	_ =	swait.ge [sflag:s30], $0x4000  }
0xba: {  	[sflag:s30] =	ssyncset.done $0x0  }
0xbb: {  	[sflag:s30] =	ssyncadd.s32 $0xFFFFC000  }
0xbc: {  	s1 =	simm.s32 $0x400;
	_ =	swait.ge [sflag:s30], $0x4000  }
0xbd: {  	s0 =	sadd.s32 $0x1000, s23;
	s4 =	simm.s32 $0x800;
	[sflag:s30] =	ssyncset.done $0x0  }
.LBB2_4:
0xbe: {  	s5 =	sshra.s32 s1, $0x2  }
0xbf: {  	[sflag:s30] =	ssyncadd.s32 $0xFFFFC000;
	s1 =	smov.u32 s4;
	s6 =	sadd.s32 $0x400, s4  }
0xc0: {  	[tilespmem:s25], [sflag:$0x1] =	stream.indirect.gather [spmem:s2], $0x80, s5, s26, $0xb8;
	[tilespmem:$0x1E800] =	vst v63  }
0xc1: {  	p0 =	sne.s32 s4, $0x9C00;
	s4 =	sadd.s32 $0x80, s5  }
0xc2: {  	[tilespmem:s28], [sflag:$0x1] =	stream.indirect.gather [spmem:s2], $0x80, s4, s26, $0xb8;
	[tilespmem:$0x1E800] =	vst v63  }
0xc3: {  	_ =	swait.ge [sflag:s29], $0x4000  }
0xc4: {  	[sflag:s29] =	ssyncset.done $0x0  }
0xc5: {  	[sflag:s29] =	ssyncadd.s32 $0xFFFFC000  }
0xc6: {  	_ =	swait.ge [sflag:s29], $0x4000  }
0xc7: {  	[sflag:s29] =	ssyncset.done $0x0  }
0xc8: {  	s4 =	sadd.s32 $0xFFFFF800, s0;
	[sflag:s29] =	ssyncadd.s32 $0xFFFFC000  }
0xc9: {  	[hbm4b:s4+s3] =	stream.linear.scatter [tilespmem:s25], [sflag:$0x2], $0x4000, $0x38;
	[tilespmem:$0x1E800] =	vst v63  }
0xca: {  	_ = 	snop  }
0xcb: {  	[hbm4b:s0+s3] =	stream.linear.scatter [tilespmem:s28], [sflag:$0x2], $0x4000, $0x38;
	[tilespmem:$0x1E800] =	vst v63  }
.Ltmp1:
0xcc: {  	_ =	swait.ge [sflag:s30], $0x4000;
	(pc) =	sbr.rel @p0 .LBB2_4-.Ltmp1, $4  }
0xcd: {  	[sflag:s30] =	ssyncset.done $0x0  }
0xce: {  	[sflag:s30] =	ssyncadd.s32 $0xFFFFC000  }
0xcf: {  	_ =	swait.ge [sflag:s30], $0x4000  }
0xd0: {  	s4 =	smov.u32 s6;
	s0 =	sadd.s32 $0x1000, s0;
	[sflag:s30] =	ssyncset.done $0x0  }
0xd1: {  	s1 =	sshra.s32 s1, $0x2;
	[sflag:s30] =	ssyncadd.s32 $0xFFFFC000  }
0xd2: {  	[tilespmem:s25], [sflag:$0x1] =	stream.indirect.gather [spmem:s2], $0x80, s1, s26, $0xb8;
	[tilespmem:$0x1E800] =	vst v63  }
0xd3: {  	s1 =	sadd.s32 $0x80, s1  }
0xd4: {  	[tilespmem:s28], [sflag:$0x1] =	stream.indirect.gather [spmem:s2], $0x80, s1, s26, $0xb8;
	[tilespmem:$0x1E800] =	vst v63  }
0xd5: {  	_ =	swait.ge [sflag:s29], $0x4000  }
0xd6: {  	[sflag:s29] =	ssyncset.done $0x0  }
0xd7: {  	[sflag:s29] =	ssyncadd.s32 $0xFFFFC000  }
0xd8: {  	_ =	swait.ge [sflag:s29], $0x4000  }
0xd9: {  	[sflag:s29] =	ssyncset.done $0x0  }
0xda: {  	s5 =	sadd.s32 $0xFFFFF800, s0;
	[sflag:s29] =	ssyncadd.s32 $0xFFFFC000  }
0xdb: {  	[hbm4b:s5+s3] =	stream.linear.scatter [tilespmem:s25], [sflag:$0x2], $0x4000, $0x38;
	[tilespmem:$0x1E800] =	vst v63  }
0xdc: {  	_ = 	snop  }
0xdd: {  	[hbm4b:s0+s3] =	stream.linear.scatter [tilespmem:s28], [sflag:$0x2], $0x4000, $0x38;
	[tilespmem:$0x1E800] =	vst v63  }
0xde: {  	_ =	swait.ge [sflag:s30], $0x4000  }
0xdf: {  	[sflag:s30] =	ssyncset.done $0x0  }
0xe0: {  	[sflag:s30] =	ssyncadd.s32 $0xFFFFC000  }
0xe1: {  	_ =	swait.ge [sflag:s30], $0x4000  }
0xe2: {  	s31 =	sadd.s32 $0x1, s31;
	s6 =	rddreg [dreg:$0x6]  }
0xe3: {  	p0 =	sne.s32 s31, s6  }
.Ltmp2:
0xe4: {  	_ = 	snop;
	(pc) =	sbr.rel @p0 .LBB2_1-.Ltmp2, $3  }
0xe5: {  	[sflag:s30] =	ssyncset.done $0x0  }
0xe6: {  	[sflag:s30] =	ssyncadd.s32 $0xFFFFC000  }
0xe7: {  	[bflag:$0x0] =	sbarrier.arrive $0xFFFF;
	_ =	sdelay $0x1  }
0xe8: {  	_ =	sfence.sel $0x180000  }
0xe9: {  	[bflag:$0x0] =	sbarrier.arrive $0xFFFF  }
0xea: {  	_ =	strace $0x9000004D  }
0xeb: {  	s0 =	stileid.u32;
	[bflag:$0x2] =	sbarrier.arrive $0xFFFF  }
0xec: {  	p0 =	sne.s32 s0, $0x0;
	s0 =	rddreg [dreg:$0x3]  }
0xed: {  	s0 =	sadd.s32 @!p0 $0x100000, s0  }
0xee: {  	[sflag:s0] =	ssyncadd.tile.s32 @!p0 $0x1;
	_ =	shalt  }
.Lfunc_end2:
_tile_overlayer_lowered:
.L_overlay_start_2:
0xef: {  	(tag) =	ssettag $0x2  }
0xf0: {  	s0 =	rddreg [dreg:$0x0];
	s2 =	stileid.u32  }
0xf1: {  	s1 =	rddreg [dreg:$0x1];
	p0 =	sne.s32 s2, $0x0  }
0xf2: {  	s3 =	rddreg [dreg:$0x2];
	[bflag:$0x3] =	sbarrier.arrive $0xFFFF;
	s2 =	simm.s32 @!p0 $0x1C03  }
0xf3: {  	[timem:s3], [sflag:s2] =	dma.local @!p0 [hbm:s0], s1  }
0xf4: {  	s0 =	simm.s32 @!p0 $0x3  }
0xf5: {  	_ =	swait.ge @!p0 [sflag:s0], s1  }
0xf6: {  	s1 =	ssub.s32 @!p0 $0x0, s1;
	[sflag:s0] =	ssyncset.done @!p0 $0x0  }
0xf7: {  	[sflag:s0] =	ssyncadd.s32 @!p0 s1  }
0xf8: {  	[bflag:$0x3] =	sbarrier.arrive $0xFFFF  }
0xf9: {  	_ =	shalt  }

// kernel: kernel.7.cloned.1.call-start
scs
__scs_entry_jumppad:
0x0: {  	(pc) =	sbr.rel $0x88, $3  }
0x1: {  	(tag) =	ssettag $0x0;
	lr =	simm.s32 $0x1  }
0x2: {  	[smem:$0x3F98] =	sst lr;
	_ =	strace $0xD0000000  }
0x3: {  	_ = 	snop  }
0x4: {  	_ = 	snop  }
0x5: {  	_ = 	snop  }
0x6: {  	_ = 	snop  }
0x7: {  	_ = 	snop  }
__scs_overlays_trampoline_lowered:
0x8: {  	[smem:$0x3FA7] =	sst s0  }
0x9: {  	[smem:$0x3FA8] =	sst s1  }
0xa: {  	[smem:$0x3FA9] =	sst s2  }
0xb: {  	[smem:$0x3FAA] =	sst s3  }
0xc: {  	[smem:$0x3FAB] =	sst s4  }
0xd: {  	[smem:$0x3FAC] =	sst s5  }
0xe: {  	[smem:$0x3FAD] =	sst s6  }
0xf: {  	[smem:$0x3FAE] =	sst s7  }
0x10: {  	[smem:$0x3FAF] =	sst s8  }
0x11: {  	[smem:$0x3FB0] =	sst s9;
	s0 =	simm.s32 @!p0 $0x0  }
0x12: {  	s1 =	sld [smem:$0x3F96];
	s0 =	simm.s32 @p0 $0x1  }
0x13: {  	[smem:$0x3FB1] =	sst s0;
	s0 =	simm.s32 @!p1 $0x0  }
0x14: {  	s2 =	sld [smem:$0x3F95];
	s0 =	simm.s32 @p1 $0x1  }
0x15: {  	[smem:$0x3FB2] =	sst s0;
	s0 =	simm.s32 @!p2 $0x0  }
0x16: {  	s3 =	sld [smem:$0x3FDB];
	s0 =	simm.s32 @p2 $0x1  }
0x17: {  	s4 =	simm.s32 $0x1BF5;
	[smem:$0x3FB4] =	sst s0  }
0x18: {  	s0 =	sld [smem:$0x3F97];
	_ =	swait.ge [sflag:s4], $0x0  }
0x19: {  	s7 =	sld [smem:$0x3F98]  }
0x1a: {  	s8 =	sadd.s32 $0xFFFFE003, lr  }
0x1b: {  	s9 =	sadd.s32 $0xFFFFFEF7, lr;
	s5 =	simm.s32 $0xFFFFFFFF;
	p2 =	slt.u32 s8, $0xFFFFF086  }
0x1c: {  	p1 =	slt.u32 s9, $0xF7A;
	s5 =	simm.s32 @!p2 $0x0  }
0x1d: {  	s5 =	simm.s32 @p1 $0x1;
	p0 =	seq.s32 s7, s2  }
0x1e: {  	s7 =	smul.u32 @!p0 $0xF7A, s2;
	p2 =	seq.s32 @!p0 s5, $0x0  }
0x1f: {  	s9 =	smul.u32 $0xF7A, s1;
	s8 =	simm.s32 @!p0 $0x1BF5;
	p2 =	por !p2, p0  }
0x20: {  	[sflag:s8] =	ssyncset.s32 @!p0 $0xFFFFF086;
	s6 =	sadd.s32 @!p0 s3, s7;
	s7 =	simm.s32 @!p0 $0x108  }
0x21: {  	s3 =	sadd.s32 s3, s9;
	s6 =	sadd.s32 @!p0 $0x88, s6;
	s7 =	simm.s32 @p2 $0x1082  }
0x22: {  	[simem:s7], [sflag:s8] =	dma.local @!p0 [hbm:s6], $0xF7A  }
0x23: {  	s9 =	sor.u32 $0xD0000000, s2;
	s6 =	simm.s32 $0x108;
	_ =	swait.ge @!p0 [sflag:s8], $0x0  }
0x24: {  	s3 =	sadd.s32 $0x88, s3;
	s6 =	simm.s32 @!p1 $0x1082;
	[sflag:s4] =	ssyncset.s32 $0xFFFFF086  }
0x25: {  	[simem:s6], [sflag:s4] =	dma.local [hbm:s3], $0xF7A  }
0x26: {  	[smem:$0x3F98] =	sst s1;
	(tag) =	ssettag s2;
	_ =	strace s9  }
0x27: {  	s1 =	sld [smem:$0x3FA8]  }
0x28: {  	s2 =	sld [smem:$0x3FA9]  }
0x29: {  	s4 =	sld [smem:$0x3FAB]  }
0x2a: {  	p0 =	seq.s32 s5, $0x0;
	s5 =	sld [smem:$0x3FAC]  }
0x2b: {  	s6 =	sld [smem:$0x3FAD]  }
0x2c: {  	s7 =	sld [smem:$0x3FAE]  }
0x2d: {  	s3 =	simm.s32 $0x108;
	s8 =	sld [smem:$0x3FAF]  }
0x2e: {  	s3 =	simm.s32 @!p0 $0x1082;
	s9 =	sld [smem:$0x3FB0]  }
0x2f: {  	lr =	sadd.s32 s0, s3;
	s0 =	sld [smem:$0x3FA7]  }
0x30: {  	s3 =	sld [smem:$0x3FAA]  }
0x31: {  	[smem:$0x3FB3] =	sst s10  }
0x32: {  	s10 =	sld [smem:$0x3FB1];
	_ =	sdelay $0x3  }
0x33: {  	p0 =	seq.s32 s10, $0x1;
	s10 =	sld [smem:$0x3FB3];
	_ =	sdelay $0x3  }
0x34: {  	[smem:$0x3FB3] =	sst s10  }
0x35: {  	s10 =	sld [smem:$0x3FB2];
	_ =	sdelay $0x3  }
0x36: {  	p1 =	seq.s32 s10, $0x1;
	s10 =	sld [smem:$0x3FB3];
	_ =	sdelay $0x3  }
0x37: {  	[smem:$0x3FB3] =	sst s10  }
0x38: {  	s10 =	sld [smem:$0x3FB4]  }
0x39: {  	_ = 	snop;
	(pc) =	sbr.ind lr, $3  }
0x3a: {  	_ = 	snop  }
0x3b: {  	_ = 	snop  }
0x3c: {  	p2 =	seq.s32 s10, $0x1;
	s10 =	sld [smem:$0x3FB3]  }
0x3d: {  	_ =	shalt  }
0x3e: {  	_ =	shalt  }
0x3f: {  	_ =	shalt  }
0x40: {  	_ =	shalt  }
0x41: {  	_ =	shalt  }
0x42: {  	_ =	shalt  }
0x43: {  	_ =	shalt  }
0x44: {  	_ =	shalt  }
0x45: {  	_ =	shalt  }
0x46: {  	_ =	shalt  }
0x47: {  	_ =	shalt  }
0x48: {  	_ =	shalt  }
0x49: {  	_ =	shalt  }
0x4a: {  	_ =	shalt  }
0x4b: {  	_ =	shalt  }
0x4c: {  	_ =	shalt  }
0x4d: {  	_ =	shalt  }
0x4e: {  	_ =	shalt  }
0x4f: {  	_ =	shalt  }
0x50: {  	_ =	shalt  }
0x51: {  	_ =	shalt  }
0x52: {  	_ =	shalt  }
0x53: {  	_ =	shalt  }
0x54: {  	_ =	shalt  }
0x55: {  	_ =	shalt  }
0x56: {  	_ =	shalt  }
0x57: {  	_ =	shalt  }
0x58: {  	_ =	shalt  }
0x59: {  	_ =	shalt  }
0x5a: {  	_ =	shalt  }
0x5b: {  	_ =	shalt  }
0x5c: {  	_ =	shalt  }
0x5d: {  	_ =	shalt  }
0x5e: {  	_ =	shalt  }
0x5f: {  	_ =	shalt  }
0x60: {  	_ =	shalt  }
0x61: {  	_ =	shalt  }
0x62: {  	_ =	shalt  }
0x63: {  	_ =	shalt  }
0x64: {  	_ =	shalt  }
0x65: {  	_ =	shalt  }
0x66: {  	_ =	shalt  }
0x67: {  	_ =	shalt  }
0x68: {  	_ =	shalt  }
0x69: {  	_ =	shalt  }
0x6a: {  	_ =	shalt  }
0x6b: {  	_ =	shalt  }
0x6c: {  	_ =	shalt  }
0x6d: {  	_ =	shalt  }
0x6e: {  	_ =	shalt  }
0x6f: {  	_ =	shalt  }
0x70: {  	_ =	shalt  }
0x71: {  	_ =	shalt  }
0x72: {  	_ =	shalt  }
0x73: {  	_ =	shalt  }
0x74: {  	_ =	shalt  }
0x75: {  	_ =	shalt  }
0x76: {  	_ =	shalt  }
0x77: {  	_ =	shalt  }
0x78: {  	_ =	shalt  }
0x79: {  	_ =	shalt  }
0x7a: {  	_ =	shalt  }
0x7b: {  	_ =	shalt  }
0x7c: {  	_ =	shalt  }
0x7d: {  	_ =	shalt  }
0x7e: {  	_ =	shalt  }
0x7f: {  	_ =	shalt  }
0x80: {  	_ =	shalt  }
0x81: {  	_ =	shalt  }
0x82: {  	_ =	shalt  }
0x83: {  	_ =	shalt  }
0x84: {  	_ =	shalt  }
0x85: {  	_ =	shalt  }
0x86: {  	_ =	shalt  }
0x87: {  	_ =	shalt  }
.Lfunc_end0:
.L_simem_size_0:
called_computation_lowered:
.L_overlay_start_0:
0x88: {  	s2 =	sld [smem:$0x3FD9]  }
0x89: {  	s3 =	sld [smem:$0x3FFE];
	_ =	sdelay $0x1  }
0x8a: {  	s1 =	srdreg.scid  }
0x8b: {  	s0 =	sand.u32 $0x1, s1  }
0x8c: {  	s17 =	sshll.u32 s0, $0xA;
	s2 =	sadd.s32 s3, s2  }
0x8d: {  	s2 =	sadd.s32 s2, s17  }
0x8e: {  	[smem:$0x3FBF] =	sst s2  }
0x8f: {  	_ = 	snop  }
0x90: {  	s2 =	sld [smem:$0x3FD0];
	(tm) =	ssettm $0x1  }
0x91: {  	s18 =	sld [smem:$0x3FFB];
	_ =	sdelay $0x3  }
0x92: {  	_ =	strace s18  }
0x93: {  	s3 =	sld [smem:$0x3FFC];
	_ =	sdelay $0x3  }
0x94: {  	_ =	strace s3  }
0x95: {  	s3 =	sld [smem:$0x3FFD];
	_ =	sdelay $0x3  }
0x96: {  	_ =	strace s3  }
0x97: {  	_ =	strace $0x8FFFFFFF  }
0x98: {  	s19 =	sld [smem:$0x3FDB];
	_ =	sdelay $0x1  }
0x99: {  	s4 =	simm.s32 $_scs_section_size  }
0x9a: {  	s5 =	simm.s32 $_size__tile_overlayer_lowered;
	s6 =	simm.s32 $_tile_overlayer_lowered  }
0x9b: {  	s22 =	simm.s32 $0x1BFF;
	s21 =	sshll.u32 s6, $0x1;
	s3 =	sadd.s32 s4, s19  }
0x9c: {  	s7 =	simm.s32 $0x0;
	s20 =	sshll.u32 s5, $0x1;
	s5 =	sadd.s32 s21, s3  }
0x9d: {  	[timem:s7], [sflag:s22] =	dma.local [hbm:s5], s20  }
0x9e: {  	_ =	swait.ge [sflag:s22], s20  }
0x9f: {  	s4 =	ssub.s32 $0x0, s20;
	[sflag:s22] =	ssyncset.done $0x0  }
0xa0: {  	[sflag:s22] =	ssyncadd.s32 s4;
	_ =	sdelay $0x1  }
0xa1: {  	s23 =	simm.s32 $0x1B8B  }
0xa2: {  	_ =	swait.ge [sflag:s23], $0x1  }
0xa3: {  	[sflag:s23] =	ssyncset.done $0x0  }
0xa4: {  	s25 =	simm.s32 $0x1B8E;
	s24 =	sld [smem:$0x3FFE];
	[sflag:s23] =	ssyncadd.s32 $0xFFFFFFFF  }
0xa5: {  	s26 =	simm.s32 $execute0_lowered;
	[smem:$0x3FD2] =	sst s25  }
0xa6: {  	s5 =	sshll.u32 s26, $0x1;
	_ =	strace $0x80000046;
	[dreg:$0x1] =	wrdreg $0xFFFFFFFF  }
0xa7: {  	s28 =	simm.s32 $_size_execute0_lowered;
	s3 =	sadd.s32 s3, s5;
	[dreg:$0x0] =	wrdreg $0x0  }
0xa8: {  	s5 =	sshll.u32 s28, $0x1;
	[dreg:$0x2] =	wrdreg s3  }
0xa9: {  	[dreg:$0x3] =	wrdreg s5  }
0xaa: {  	[dreg:$0x4] =	wrdreg $0xC0  }
0xab: {  	_ =	task [dreg:s7], $0x5FFFF  }
0xac: {  	[dreg:$0x1] =	wrdreg $0xFFFFFFFF  }
0xad: {  	[dreg:$0x0] =	wrdreg $0x60  }
0xae: {  	[dreg:$0x2] =	wrdreg s24  }
0xaf: {  	[dreg:$0x3] =	wrdreg s2  }
0xb0: {  	[dreg:$0x4] =	wrdreg $0xF2800  }
0xb1: {  	[dreg:$0x5] =	wrdreg $0x9  }
0xb2: {  	_ =	task.clear_ibuf [dreg:s7], $0x6FFFF;
	_ =	strace $0x90000046  }
0xb3: {  	s29 =	simm.s32 $0x9;
	_ =	strace $0x80000048  }
0xb4: {  	_ =	swait.ge [sflag:s29], $0x1  }
0xb5: {  	[sflag:s29] =	ssyncadd.s32 $0xFFFFFFFF  }
0xb6: {  	_ =	strace $0x90000048  }
0xb7: {  	_ =	sfence  }
0xb8: {  	s30 =	sld [smem:$0x0];
	_ =	sdelay $0x2  }
0xb9: {  	s31 =	sshll.u32 s1, $0xD;
	s1 =	sshrl.u32 s1, $0x2  }
0xba: {  	s3 =	sand.u32 $0x4000, s31;
	s1 =	sadd.s32 s1, s30  }
0xbb: {  	s0 =	sor.u32 s3, s0;
	s1 =	sshll.u32 s1, $0x11  }
0xbc: {  	s0 =	sor.u32 s1, s0  }
0xbd: {  	s0 =	sadd.s32 $0x8F2B, s0  }
0xbe: {  	[sflag:s0] =	ssyncadd.remote.s32 $0x1  }
0xbf: {  	_ =	sfence.sel $0xFFFF  }
0xc0: {  	[dreg:$0x0] =	wrdreg $0xFFFFFFFF;
	(pc) =	sbr.abs _section_cstart, $3  }
0xc1: {  	[dreg:$0x1] =	wrdreg $0xFFFFFFFF  }
0xc2: {  	_ =	task.clear_ibuf [dreg:s7], $0x2FFFF;
	_ =	strace $0x9FFFFFFF  }
0xc3: {  	(tm) =	ssettm $0x7FFFFFFF  }
tec
execute0_lowered:
.L_overlay_start_1:
0x0: {  	(tag) =	ssettag $0x1  }
0x1: {  	s5 =	rddreg [dreg:$0x0]  }
0x2: {  	s6 =	rddreg [dreg:$0x1]  }
0x3: {  	s1 =	rddreg [dreg:$0x2]  }
0x4: {  	s0 =	rddreg [dreg:$0x3]  }
0x5: {  	s3 =	srdreg.scid;
	s17 =	stileid.u32;
	s2 =	simm.s32 $0x0  }
0x6: {  	s15 =	simm.s32 $0xF000;
	s16 =	simm.s32 $0x80;
	s18 =	simm.s32 $0x0  }
0x7: {  	s8 =	sand.u32 $0x1, s3;
	s30 =	sshll.u32 s17, $0x1;
	s31 =	smul.u32 $0xA00, s17  }
0x8: {  	[smem:$0x7FF] =	sst s2;
	s4 =	sadd.s32 $0x1200, s5;
	s13 =	smul.u32 $0x5000, s17  }
0x9: {  	p0 =	sne.s32 s17, $0x0;
	s17 =	simm.s32 $0xC800;
	s3 =	sor.u32 s8, s30  }
0xa: {  	_ =	strace $0x80000047;
	s9 =	ssub.s32 $0x2, s8;
	s14 =	smul.u32 $0x2800, s8  }
0xb: {  	s11 =	sshll.u32 s8, $0x4;
	s7 =	smul.u32 $0x500, s3;
	s12 =	sshrl.u32 s9, $0x1  }
0xc: {  	s3 =	sadd.s32 $0xC00, s5;
	s11 =	sadd.s32 s11, s5;
	s12 =	ssub.s32 s9, s12  }
0xd: {  	s9 =	sshrl.u32 s31, $0x2;
	s10 =	sadd.s32 s7, s5;
	s5 =	sadd.s32 s6, s7  }
0xe: {  	s8 =	sadd.s32 s9, s1;
	s6 =	sadd.s32 $0xB800, s10;
	s7 =	sadd.s32 $0x1800, s10  }
0xf: {  	s9 =	sadd.s32 $0x15800, s10;
	s10 =	sadd.s32 $0x1F800, s11;
	s11 =	smax.u32 s12, $0x1  }
0x10: {  	v0 =	vimm.f32 $0.0e+00;
	s12 =	sadd.s32 s14, s13;
	s13 =	simm.s32 $0x1;
	s14 =	simm.s32 $0x2800  }
.LBB2_1:
0x11: {  	[tilespmem:s2], [sflag:$0x1] =	stream.linear.gather [hbm4b:s3+s2], $0x2800, $0x38;
	[tilespmem:$0xF500] =	vst v63  }
0x12: {  	_ =	swait.ge [sflag:s13], $0x2800  }
0x13: {  	[sflag:s13] =	ssyncset.done $0x0  }
0x14: {  	[sflag:s13] =	ssyncadd.s32 $0xFFFFD800  }
0x15: {  	[tilespmem:s14], [sflag:$0x1] =	stream.linear.gather [hbm4b:s4+s2], $0x2800, $0x38;
	[tilespmem:$0xF500] =	vst v63  }
0x16: {  	_ =	swait.ge [sflag:s13], $0x2800  }
0x17: {  	[sflag:s13] =	ssyncset.done $0x0  }
0x18: {  	s19 =	simm.s32 $0x5000;
	[sflag:s13] =	ssyncadd.s32 $0xFFFFD800  }
0x19: {  	[tilespmem:s19], [sflag:$0x1] =	stream.linear.gather [hbm4b:s5+s2], $0x2800, $0x38;
	[tilespmem:$0xF500] =	vst v63  }
0x1a: {  	_ =	swait.ge [sflag:s13], $0x2800  }
0x1b: {  	[sflag:s13] =	ssyncset.done $0x0  }
0x1c: {  	s20 =	simm.s32 $0x7800;
	[sflag:s13] =	ssyncadd.s32 $0xFFFFD800  }
0x1d: {  	[tilespmem:s20], [sflag:$0x1] =	stream.linear.gather [hbm4b:s6+s2], $0x2800, $0x38;
	[tilespmem:$0xF500] =	vst v63  }
0x1e: {  	_ =	swait.ge [sflag:s13], $0x2800  }
0x1f: {  	[sflag:s13] =	ssyncset.done $0x0  }
0x20: {  	s21 =	simm.s32 $0xA000;
	[sflag:s13] =	ssyncadd.s32 $0xFFFFD800  }
0x21: {  	[tilespmem:s21], [sflag:$0x1] =	stream.linear.gather [hbm4b:s7+s2], $0x2800, $0x38;
	[tilespmem:$0xF500] =	vst v63  }
0x22: {  	_ =	swait.ge [sflag:s13], $0x2800  }
0x23: {  	[sflag:s13] =	ssyncset.done $0x0  }
0x24: {  	[sflag:s13] =	ssyncadd.s32 $0xFFFFD800  }
0x25: {  	[tilespmem:$0xF000] =	vst v0  }
0x26: {  	[tilespmem:$0xF010] =	vst v0  }
0x27: {  	[tilespmem:$0xF020] =	vst v0  }
0x28: {  	[tilespmem:$0xF030] =	vst v0  }
0x29: {  	[tilespmem:$0xF040] =	vst v0  }
0x2a: {  	[tilespmem:$0xF050] =	vst v0  }
0x2b: {  	[tilespmem:$0xF060] =	vst v0  }
0x2c: {  	[tilespmem:$0xF070] =	vst v0  }
0x2d: {  	[tilespmem:$0xF080] =	vst v0  }
0x2e: {  	[tilespmem:$0xF090] =	vst v0  }
0x2f: {  	[tilespmem:$0xF0A0] =	vst v0  }
0x30: {  	[tilespmem:$0xF0B0] =	vst v0  }
0x31: {  	[tilespmem:$0xF0C0] =	vst v0  }
0x32: {  	[tilespmem:$0xF0D0] =	vst v0  }
0x33: {  	[tilespmem:$0xF0E0] =	vst v0  }
0x34: {  	[tilespmem:$0xF0F0] =	vst v0  }
0x35: {  	[tilespmem:$0xF100] =	vst v0  }
0x36: {  	[tilespmem:$0xF110] =	vst v0  }
0x37: {  	[tilespmem:$0xF120] =	vst v0  }
0x38: {  	[tilespmem:$0xF130] =	vst v0  }
0x39: {  	[tilespmem:$0xF140] =	vst v0  }
0x3a: {  	[tilespmem:$0xF150] =	vst v0  }
0x3b: {  	[tilespmem:$0xF160] =	vst v0  }
0x3c: {  	[tilespmem:$0xF170] =	vst v0  }
0x3d: {  	[tilespmem:$0xF180] =	vst v0  }
0x3e: {  	[tilespmem:$0xF190] =	vst v0  }
0x3f: {  	[tilespmem:$0xF1A0] =	vst v0  }
0x40: {  	[tilespmem:$0xF1B0] =	vst v0  }
0x41: {  	[tilespmem:$0xF1C0] =	vst v0  }
0x42: {  	[tilespmem:$0xF1D0] =	vst v0  }
0x43: {  	[tilespmem:$0xF1E0] =	vst v0  }
0x44: {  	[tilespmem:$0xF1F0] =	vst v0  }
0x45: {  	[tilespmem:$0xF200] =	vst v0  }
0x46: {  	[tilespmem:$0xF210] =	vst v0  }
0x47: {  	[tilespmem:$0xF220] =	vst v0  }
0x48: {  	[tilespmem:$0xF230] =	vst v0  }
0x49: {  	[tilespmem:$0xF240] =	vst v0  }
0x4a: {  	[tilespmem:$0xF250] =	vst v0  }
0x4b: {  	[tilespmem:$0xF260] =	vst v0  }
0x4c: {  	[tilespmem:$0xF270] =	vst v0  }
0x4d: {  	[spmem:s8] =	stream.linear.scatter [tilespmem:s15], [sflag:$0x1], $0x280, $0x38;
	[tilespmem:$0xF500] =	vst v63  }
0x4e: {  	_ =	swait.ge [sflag:s13], $0x280  }
0x4f: {  	[sflag:s13] =	ssyncset.done $0x0  }
0x50: {  	s22 =	simm.s32 $0xC800;
	[sflag:s13] =	ssyncadd.s32 $0xFFFFFD80  }
0x51: {  	s23 =	smov.u32 s12;
	s24 =	simm.s32 $0x0;
	[bflag:$0x0] =	sbarrier.arrive $0xFFFF  }
.LBB2_2:
0x52: {  	v3 =	vmov s20  }
0x53: {  	v2 =	vmov s21;
	_ =	sdelay $0x2  }
0x54: {  	s26 =	simm.s32 $0x0  }
0x55: {  	v1 =	vld.idx.msk [tilespmem:v3+s26+$0x0 ss:$0x1], $0xffff  }
0x56: {  	v5 =	vld.idx.msk [tilespmem:v2+s26+$0x0 ss:$0x1], $0xffff;
	_ =	sdelay $0x4  }
0x57: {  	v4 =	vmov s19;
	_ =	sdelay $0x1  }
0x58: {  	v1 =	vld.idx.msk [tilespmem:v1+s2+$0x0], $0xffff  }
0x59: {  	v5 =	vld.idx.msk [tilespmem:v5+s14+$0x0], $0xffff;
	_ =	sdelay $0x1  }
0x5a: {  	v6 =	vld.idx.msk [tilespmem:v4+s26+$0x0 ss:$0x1], $0xffff;
	_ =	sdelay $0x2  }
0x5b: {  	v1 =	vadd.f32 v5, v1;
	_ =	sdelay $0x1  }
0x5c: {  	v1 =	vadd.f32 v1, v6;
	_ =	sdelay $0x1  }
0x5d: {  	v5 =	vmul.f32 $2.000000030e-01, v1;
	_ =	sdelay $0x1  }
0x5e: {  	v1 =	vmax.f32 v1, v5  }
0x5f: {  	v1 =	vmul.f32 $1.442695020e+00, v1;
	_ =	sdelay $0x1  }
0x60: {  	(erf) = vpow2.f32 v1;
	_ =	sdelay $0x5  }
0x61: {  	v1 =	vmov s22;
	_ =	sdelay $0x2  }
0x62: {  	p1 =	slt.u32 s23, $0x4E200;
	v5 =	vpop (erf)  }
0x63: {  	v5 =	vpsel !p1, $0x0, v5  }
0x64: {  	s25 =	simm.s32 $0x10;
	[tilespmem:v1+s26+$0x0 ss:$0x1] =	vst.idx.msk $0xffff, v5  }
0x65: {  	s28 =	simm.s32 $0x80;
	s26 =	smov.u32 s23;
	v5 =	vld.idx.msk [tilespmem:v3+s25+$0x0 ss:$0x1], $0xffff  }
.LBB2_3:
0x66: {  	p1 =	sne.s32 s28, $0x1C0;
	v6 =	vld.idx.msk [tilespmem:v2+s25+$0x0 ss:$0x1], $0xffff;
	_ =	sdelay $0x6  }
0x67: {  	v5 =	vld.idx.msk [tilespmem:v5+s2+$0x0], $0xffff  }
0x68: {  	v6 =	vld.idx.msk [tilespmem:v6+s14+$0x0], $0xffff;
	_ =	sdelay $0x1  }
0x69: {  	v7 =	vld.idx.msk [tilespmem:v4+s25+$0x0 ss:$0x1], $0xffff;
	_ =	sdelay $0x3  }
0x6a: {  	v5 =	vadd.f32 v6, v5;
	_ =	sdelay $0x1  }
0x6b: {  	v5 =	vadd.f32 v5, v7;
	_ =	sdelay $0x1  }
0x6c: {  	v6 =	vmul.f32 $2.000000030e-01, v5;
	_ =	sdelay $0x1  }
0x6d: {  	v5 =	vmax.f32 v5, v6  }
0x6e: {  	v5 =	vmul.f32 $1.442695020e+00, v5;
	_ =	sdelay $0x1  }
0x6f: {  	(erf) = vpow2.f32 v5;
	_ =	sdelay $0x7  }
.Ltmp0:
0x70: {  	s26 =	sadd.s32 $0x10, s26;
	(pc) =	sbr.rel @p1 .LBB2_3-.Ltmp0, $4  }
0x71: {  	p2 =	slt.u32 s26, $0x4E200;
	v5 =	vpop (erf)  }
0x72: {  	v5 =	vpsel !p2, $0x0, v5  }
0x73: {  	[tilespmem:v1+s25+$0x0 ss:$0x1] =	vst.idx.msk $0xffff, v5;
	s25 =	sshra.s32 s28, $0x2  }
0x74: {  	s28 =	sadd.s32 $0x40, s28;
	v5 =	vld.idx.msk [tilespmem:v3+s25+$0x0 ss:$0x1], $0xffff  }
0x75: {  	_ =	sdelay $0x3  }
0x76: {  	v2 =	vld.idx.msk [tilespmem:v2+s25+$0x0 ss:$0x1], $0xffff;
	_ =	sdelay $0x6  }
0x77: {  	v3 =	vld.idx.msk [tilespmem:v5+s2+$0x0], $0xffff  }
0x78: {  	v2 =	vld.idx.msk [tilespmem:v2+s14+$0x0], $0xffff;
	_ =	sdelay $0x1  }
0x79: {  	v4 =	vld.idx.msk [tilespmem:v4+s25+$0x0 ss:$0x1], $0xffff;
	_ =	sdelay $0x2  }
0x7a: {  	v2 =	vadd.f32 v2, v3;
	_ =	sdelay $0x1  }
0x7b: {  	v2 =	vadd.f32 v2, v4;
	_ =	sdelay $0x1  }
0x7c: {  	v3 =	vmul.f32 $2.000000030e-01, v2;
	_ =	sdelay $0x1  }
0x7d: {  	v2 =	vmax.f32 v2, v3  }
0x7e: {  	v2 =	vmul.f32 $1.442695020e+00, v2;
	_ =	sdelay $0x1  }
0x7f: {  	(erf) = vpow2.f32 v2;
	_ =	sdelay $0x7  }
0x80: {  	s26 =	sadd.s32 $0x10, s26  }
0x81: {  	s24 =	sadd.s32 $0x1, s24;
	p1 =	slt.u32 s26, $0x4E200;
	v2 =	vpop (erf)  }
0x82: {  	v2 =	vpsel !p1, $0x0, v2;
	p1 =	sne.s32 s24, $0x50  }
.Ltmp1:
0x83: {  	_ = 	snop;
	(pc) =	sbr.rel @p1 .LBB2_2-.Ltmp1, $3  }
0x84: {  	_ =	sdelay $0x1  }
0x85: {  	s23 =	sadd.s32 $0x80, s23;
	s22 =	sadd.s32 $0x80, s22  }
0x86: {  	s19 =	sadd.s32 $0x80, s19;
	s21 =	sadd.s32 $0x80, s21;
	s20 =	sadd.s32 $0x80, s20;
	[tilespmem:v1+s25+$0x0 ss:$0x1] =	vst.idx.msk $0xffff, v2  }
0x87: {  	s19 =	simm.s32 $0xC800;
	s20 =	simm.s32 $0x7800  }
0x88: {  	[spmem:s1] =	stream.indirect.scatter.add.f32 [tilespmem:s19], [sflag:$0x1], $0x1, s20, s16, $0xb8;
	[tilespmem:$0xF500] =	vst v63  }
0x89: {  	s19 =	simm.s32 $0x200;
	_ =	swait.ge [sflag:s13], $0x80  }
.LBB2_6:
0x8a: {  	s20 =	sshra.s32 s19, $0x2  }
0x8b: {  	[sflag:s13] =	ssyncset.done $0x0;
	p1 =	sne.s32 s19, $0x9E00;
	s21 =	sadd.s32 $0xC800, s20  }
.Ltmp2:
0x8c: {  	s20 =	sadd.s32 $0x7800, s20;
	[sflag:s13] =	ssyncadd.s32 $0xFFFFFF80;
	(pc) =	sbr.rel @p1 .LBB2_6-.Ltmp2, $3  }
0x8d: {  	[spmem:s1] =	stream.indirect.scatter.add.f32 [tilespmem:s21], [sflag:$0x1], $0x1, s20, s16, $0xb8;
	[tilespmem:$0xF500] =	vst v63  }
0x8e: {  	s19 =	sadd.s32 $0x200, s19;
	_ =	sdelay $0x1  }
0x8f: {  	_ =	swait.ge [sflag:s13], $0x80  }
0x90: {  	[sflag:s13] =	ssyncset.done $0x0  }
0x91: {  	[sflag:s13] =	ssyncadd.s32 $0xFFFFFF80  }
0x92: {  	s19 =	sshrl.u32 @!p0 s1, $0x3;
	s20 =	simm.s32 @!p0 $0x1;
	[bflag:$0x0] =	sbarrier.arrive $0xFFFF  }
0x93: {  	[hbm4b:s9+s2] =	stream.linear.scatter [tilespmem:s17], [sflag:$0x1], $0x2800, $0x38;
	[tilespmem:$0xF500] =	vst v63  }
0x94: {  	s21 =	simm.s32 @!p0 $0x20;
	s18 =	sadd.s32 $0x1, s18;
	_ =	swait.ge [sflag:s13], $0x2800  }
0x95: {  	s22 =	simm.s32 @!p0 $0x10;
	p1 =	sne.s32 s18, s11;
	[sflag:s13] =	ssyncset.done $0x0  }
.Ltmp3:
0x96: {  	s23 =	simm.s32 @!p0 $0x1C01;
	[sflag:s13] =	ssyncadd.s32 $0xFFFFD800;
	(pc) =	sbr.rel @p1 .LBB2_1-.Ltmp3, $4  }
0x97: {  	[hbm:s10@s21], [sflag:s23] =	dma.strided @!p0 [spmem:s19@s22], $0x500, s20, $0x10   }
0x98: {  	_ =	swait.ge @!p0 [sflag:s20], $0x500  }
0x99: {  	[sflag:s20] =	ssyncset.done @!p0 $0x0  }
0x9a: {  	[sflag:s20] =	ssyncadd.s32 @!p0 $0xFFFFFB00  }
0x9b: {  	_ =	sfence.sel $0x180000  }
0x9c: {  	[bflag:$0x0] =	sbarrier.arrive $0xFFFF  }
0x9d: {  	_ =	strace $0x90000047  }
0x9e: {  	s0 =	sadd.s32 @!p0 $0x100000, s0;
	[bflag:$0x2] =	sbarrier.arrive $0xFFFF  }
0x9f: {  	[sflag:s0] =	ssyncadd.tile.s32 @!p0 $0x1;
	_ =	shalt  }
.Lfunc_end2:
_tile_overlayer_lowered:
.L_overlay_start_2:
0xa0: {  	(tag) =	ssettag $0x2  }
0xa1: {  	s0 =	rddreg [dreg:$0x0];
	s2 =	stileid.u32  }
0xa2: {  	s1 =	rddreg [dreg:$0x1];
	p0 =	sne.s32 s2, $0x0  }
0xa3: {  	s3 =	rddreg [dreg:$0x2];
	[bflag:$0x3] =	sbarrier.arrive $0xFFFF;
	s2 =	simm.s32 @!p0 $0x1C01  }
0xa4: {  	[timem:s3], [sflag:s2] =	dma.local @!p0 [hbm:s0], s1  }
0xa5: {  	s0 =	simm.s32 @!p0 $0x1  }
0xa6: {  	_ =	swait.ge @!p0 [sflag:s0], s1  }
0xa7: {  	s1 =	ssub.s32 @!p0 $0x0, s1;
	[sflag:s0] =	ssyncset.done @!p0 $0x0  }
0xa8: {  	[sflag:s0] =	ssyncadd.s32 @!p0 s1  }
0xa9: {  	[bflag:$0x3] =	sbarrier.arrive $0xFFFF  }
0xaa: {  	_ =	shalt  }

</sc_bundles>
